<compile_context>
chip_gen: v7x
topology: tpu7x:2x2x1
jax: 0.10.2.dev20260603
libtpu: 0.0.44.dev20260713+nightly
codegen_flags: <defaults>
</compile_context>

<pallas_src>
import functools

import jax
import jax.numpy as jnp
from jax import lax
from jax.experimental import pallas as pl
from jax.experimental.pallas import tpu as pltpu
from jax.experimental.pallas import tpu_sc as plsc

B, L = 4096, 50
N = B * L
SKU_DIM, HID, ITEM_DIM = 64, 128, 128
NPRICE = 100

NW = 32
CHUNK = 128
PER_W = N // NW
NCHUNK = PER_W // CHUNK
NSLOT = 2

_EPS = 1e-5


def _ln(x, g, b):
    mu = jnp.mean(x, axis=-1, keepdims=True)
    var = jnp.mean((x - mu) ** 2, axis=-1, keepdims=True)
    return (x - mu) * lax.rsqrt(var + _EPS) * g + b



_WBLK = 4000
_CBLK = 40


def _prep_body(cat_t, cat_g, cat_b, price_t, price_g, price_b,
               word_t, fc1_w, fc1_b, cp2, w2):
    p2 = jnp.dot(_ln(price_t[...], price_g[...], price_b[...]),
                 fc1_w[256:384, :], preferred_element_type=jnp.float32)
    c2 = jnp.dot(_ln(cat_t[...], cat_g[...], cat_b[...]),
                 fc1_w[128:256, :],
                 preferred_element_type=jnp.float32) + fc1_b[...]
    cp2[...] = (c2[:, None, :] + p2[None, :, :]).reshape(_WBLK, ITEM_DIM)
    w2[...] = jnp.dot(word_t[...], fc1_w[384:512, :],
                      preferred_element_type=jnp.float32)


def _prep(cat_t, cat_g, cat_b, price_t, price_g, price_b, word_t, fc1_w, fc1_b):
    n_cat, n_price, n_word = cat_t.shape[0], price_t.shape[0], word_t.shape[0]
    grid = n_word // _WBLK
    full = lambda shape: pl.BlockSpec(shape, lambda i: (0, 0))
    return pl.pallas_call(
        _prep_body,
        grid=(grid,),
        in_specs=[
            pl.BlockSpec((_CBLK, HID), lambda i: (i, 0)),
            full((1, HID)), full((1, HID)),
            full((n_price, HID)), full((1, HID)), full((1, HID)),
            pl.BlockSpec((_WBLK, HID), lambda i: (i, 0)),
            full((3 * HID + ITEM_DIM, ITEM_DIM)), full((1, ITEM_DIM)),
        ],
        out_specs=[
            pl.BlockSpec((_WBLK, ITEM_DIM), lambda i: (i, 0)),
            pl.BlockSpec((_WBLK, ITEM_DIM), lambda i: (i, 0)),
        ],
        out_shape=[
            jax.ShapeDtypeStruct((n_cat * n_price, ITEM_DIM), jnp.float32),
            jax.ShapeDtypeStruct((n_word, ITEM_DIM), jnp.float32),
        ],
    )(cat_t, cat_g.reshape(1, HID), cat_b.reshape(1, HID),
      price_t, price_g.reshape(1, HID), price_b.reshape(1, HID),
      word_t, fc1_w, fc1_b.reshape(1, ITEM_DIM))




def _gather2_body(cat_idx, price_idx, word_idx, cp2, w2,
                  cp_out, w_out,
                  idx_c, idx_p, idx_w, bufc, bufw, gsems, wsem):
    wid = lax.axis_index("s") * 2 + lax.axis_index("c")
    base = wid * PER_W
    pltpu.sync_copy(cat_idx.at[wid], idx_c)
    pltpu.sync_copy(price_idx.at[wid], idx_p)
    pltpu.sync_copy(word_idx.at[wid], idx_w)

    def xform_cp(k, carry):
        sl = pl.ds(k * 16, 16)
        idx_c[sl] = idx_c[sl] * NPRICE + idx_p[sl]
        return carry

    lax.fori_loop(0, PER_W // 16, xform_cp, 0)

    tabs = [(cp2, idx_c, bufc, cp_out), (w2, idx_w, bufw, w_out)]

    def outer(g, carry):
        c0 = g * NSLOT
        gd = []
        for b in range(NSLOT):
            ds = []
            for table, idx, buf, _ in tabs:
                ds.append(pltpu.async_copy(
                    table.at[idx.at[pl.ds((c0 + b) * CHUNK, CHUNK)]],
                    buf.at[pl.ds(b * CHUNK, CHUNK)], gsems.at[b]))
            gd.append(ds)
        for b in range(NSLOT):
            for d in gd[b]:
                d.wait()
        wd = []
        off = base + c0 * CHUNK
        for _, _, buf, out in tabs:
            wd.append(pltpu.async_copy(
                buf, out.at[pl.ds(off, NSLOT * CHUNK)], wsem))
        for d in wd:
            d.wait()
        return carry

    lax.fori_loop(0, NCHUNK // NSLOT, outer, 0)


def _gather2(cat_idx, price_idx, word_idx, cp2, w2):
    mesh = plsc.VectorSubcoreMesh(core_axis_name="c", subcore_axis_name="s")
    f = functools.partial(
        pl.kernel,
        mesh=mesh,
        out_type=[
            jax.ShapeDtypeStruct((N, ITEM_DIM), jnp.float32),
            jax.ShapeDtypeStruct((N, ITEM_DIM), jnp.float32),
        ],
        scratch_types=[
            pltpu.VMEM((PER_W,), jnp.int32),
            pltpu.VMEM((PER_W,), jnp.int32),
            pltpu.VMEM((PER_W,), jnp.int32),
            pltpu.VMEM((NSLOT * CHUNK, ITEM_DIM), jnp.float32),
            pltpu.VMEM((NSLOT * CHUNK, ITEM_DIM), jnp.float32),
            pltpu.SemaphoreType.DMA((NSLOT,)),
            pltpu.SemaphoreType.DMA,
        ],
    )(_gather2_body)
    return f(cat_idx, price_idx, word_idx, cp2, w2)


def _gather_sku_body(sku_idx, sku_t, sku_out, idx_s, buf64, gsems, wsems):
    wid = lax.axis_index("s") * 2 + lax.axis_index("c")
    base = wid * PER_W
    pltpu.sync_copy(sku_idx.at[wid], idx_s)

    def outer(g, carry):
        gd = []
        for b in range(NSLOT):
            c = g * NSLOT + b
            gd.append(pltpu.async_copy(
                sku_t.at[idx_s.at[pl.ds(c * CHUNK, CHUNK)]],
                buf64.at[b], gsems.at[b]))
        wd = []
        for b in range(NSLOT):
            gd[b].wait()
            c = g * NSLOT + b
            wd.append(pltpu.async_copy(
                buf64.at[b], sku_out.at[pl.ds(base + c * CHUNK, CHUNK)],
                wsems.at[b]))
        for d in wd:
            d.wait()
        return carry

    lax.fori_loop(0, NCHUNK // NSLOT, outer, 0)


def _gather_sku(sku_idx, sku_t):
    mesh = plsc.VectorSubcoreMesh(core_axis_name="c", subcore_axis_name="s")
    f = functools.partial(
        pl.kernel,
        mesh=mesh,
        compiler_params=pltpu.CompilerParams(use_tc_tiling_on_sc=False, needs_layout_passes=True),
        out_type=jax.ShapeDtypeStruct((N, SKU_DIM), jnp.float32),
        scratch_types=[
            pltpu.VMEM((PER_W,), jnp.int32),
            pltpu.VMEM((NSLOT, CHUNK, SKU_DIM), jnp.float32),
            pltpu.SemaphoreType.DMA((NSLOT,)),
            pltpu.SemaphoreType.DMA((NSLOT,)),
        ],
    )(_gather_sku_body)
    return f(sku_idx, sku_t)



_BBLK = 32
_RBLK = _BBLK * L


def _sku_chain(x, sku_g, sku_b, proj_w, proj_b, proj_g, proj_b2, w_s):
    x = _ln(x, sku_g, sku_b)
    x = jnp.dot(x, proj_w, preferred_element_type=jnp.float32) + proj_b
    x = jax.nn.relu(_ln(x, proj_g, proj_b2))
    return jnp.dot(x, w_s, preferred_element_type=jnp.float32)


def _combine_body(skup, cpr, w2r,
                  sku_g, sku_b, proj_w, proj_b, proj_g, proj_b2, w_s, out):
    y = _sku_chain(skup[...], sku_g[...], sku_b[...], proj_w[...],
                   proj_b[...], proj_g[...], proj_b2[...], w_s[...])
    y = jax.nn.relu(y + cpr[...] + w2r[...])
    out[...] = y.reshape(_BBLK, L, ITEM_DIM)


def _combine(skup, cpr, w2r, sku_g, sku_b,
             proj_w, proj_b, proj_g, proj_b2, w_s):
    grid = N // _RBLK
    row = lambda d: pl.BlockSpec((_RBLK, d), lambda i: (i, 0))
    full = lambda shape: pl.BlockSpec(shape, lambda i: (0, 0))
    return pl.pallas_call(
        _combine_body,
        grid=(grid,),
        in_specs=[
            row(SKU_DIM),
            row(ITEM_DIM), row(ITEM_DIM),
            full((1, SKU_DIM)), full((1, SKU_DIM)),
            full((SKU_DIM, HID)), full((1, HID)), full((1, HID)), full((1, HID)),
            full((HID, ITEM_DIM)),
        ],
        out_specs=pl.BlockSpec((_BBLK, L, ITEM_DIM), lambda i: (i, 0, 0)),
        out_shape=jax.ShapeDtypeStruct((B, L, ITEM_DIM), jnp.float32),
    )(skup, cpr, w2r,
      sku_g.reshape(1, SKU_DIM), sku_b.reshape(1, SKU_DIM),
      proj_w, proj_b.reshape(1, HID), proj_g.reshape(1, HID),
      proj_b2.reshape(1, HID), w_s)




def kernel(sku_id, cat_id, price_id, word_ids, sku_table, sku_ln_g, sku_ln_b,
           proj_W, proj_b, proj_ln_g, proj_ln_b, cat_table, cat_ln_g,
           cat_ln_b, price_table, price_ln_g, price_ln_b, word_table,
           fc1_W, fc1_b):
    cp2, w2 = _prep(cat_table, cat_ln_g, cat_ln_b,
                    price_table, price_ln_g, price_ln_b,
                    word_table, fc1_W, fc1_b)
    shape_ids = lambda a: a.reshape(NW, PER_W).astype(jnp.int32)
    cpr, w2r = _gather2(shape_ids(cat_id), shape_ids(price_id),
                        shape_ids(word_ids), cp2, w2)
    skup = _gather_sku(shape_ids(sku_id), sku_table)
    return _combine(skup, cpr, w2r, sku_ln_g, sku_ln_b,
                    proj_W, proj_b, proj_ln_g, proj_ln_b, fc1_W[:HID, :])

# --- scband reference (transcript-rebuilt; emitter-appended) ---
"""Pipeline reference for scband-sku-embedding-62371515072984 (READ-ONLY COPY).

The authoritative reference and input builder live on the scoring server;
editing this copy changes nothing except your own understanding.
"""

import jax, jax.numpy as jnp
import numpy as np

B, L = 4096, 50
NUM_SKU, NUM_CAT, NUM_PRICE, NUM_WORD = 1000000, 1000, 100, 100000
SKU_DIM, HID, ITEM_DIM = 64, 128, 128


def _layer_norm(x, g, b, eps=1e-5):
    mu = jnp.mean(x, axis=-1, keepdims=True)
    var = jnp.mean((x - mu) ** 2, axis=-1, keepdims=True)
    return (x - mu) / jnp.sqrt(var + eps) * g + b


def setup_inputs(seed: int = 0) -> dict:
    key = jax.random.key(seed)
    ks = jax.random.split(key, 12)
    sku_id = jax.random.randint(ks[0], (B, L), 0, NUM_SKU)
    cat_id = jax.random.randint(ks[1], (B, L), 0, NUM_CAT)
    price_id = jax.random.randint(ks[2], (B, L), 0, NUM_PRICE)
    word_ids = jax.random.randint(ks[3], (B, L), 0, NUM_WORD)
    sku_table = (jax.random.normal(ks[4], (NUM_SKU, SKU_DIM), jnp.float32) * 0.02).at[0].set(0.0)
    cat_table = (jax.random.normal(ks[5], (NUM_CAT, HID), jnp.float32) * 0.02).at[0].set(0.0)
    price_table = (jax.random.normal(ks[6], (NUM_PRICE, HID), jnp.float32) * 0.02).at[0].set(0.0)
    word_table = (jax.random.normal(ks[7], (NUM_WORD, ITEM_DIM), jnp.float32) * 0.02).at[0].set(0.0)
    proj_W = jax.random.normal(ks[8], (SKU_DIM, HID), jnp.float32) * (1.0 / np.sqrt(SKU_DIM))
    proj_b = jnp.zeros((HID,), jnp.float32)
    fc1_W = jax.random.normal(ks[9], (3 * HID + ITEM_DIM, ITEM_DIM), jnp.float32) * (1.0 / np.sqrt(3 * HID + ITEM_DIM))
    fc1_b = jnp.zeros((ITEM_DIM,), jnp.float32)
    return {
        'sku_id': sku_id, 'cat_id': cat_id, 'price_id': price_id, 'word_ids': word_ids,
        'sku_table': sku_table, 'sku_ln_g': jnp.ones((SKU_DIM,), jnp.float32), 'sku_ln_b': jnp.zeros((SKU_DIM,), jnp.float32),
        'proj_W': proj_W, 'proj_b': proj_b, 'proj_ln_g': jnp.ones((HID,), jnp.float32), 'proj_ln_b': jnp.zeros((HID,), jnp.float32),
        'cat_table': cat_table, 'cat_ln_g': jnp.ones((HID,), jnp.float32), 'cat_ln_b': jnp.zeros((HID,), jnp.float32),
        'price_table': price_table, 'price_ln_g': jnp.ones((HID,), jnp.float32), 'price_ln_b': jnp.zeros((HID,), jnp.float32),
        'word_table': word_table, 'fc1_W': fc1_W, 'fc1_b': fc1_b,
    }


def reference(sku_id, cat_id, price_id, word_ids,
              sku_table, sku_ln_g, sku_ln_b,
              proj_W, proj_b, proj_ln_g, proj_ln_b,
              cat_table, cat_ln_g, cat_ln_b,
              price_table, price_ln_g, price_ln_b,
              word_table, fc1_W, fc1_b):
    # sku_emb_layer: Embedding -> LayerNorm -> Dropout(eval=identity)
    sku_emb = _layer_norm(jnp.take(sku_table, sku_id, axis=0), sku_ln_g, sku_ln_b)
    # sku_projection: Linear -> LayerNorm -> ReLU -> Dropout
    sku_emb = jax.nn.relu(_layer_norm(sku_emb @ proj_W + proj_b, proj_ln_g, proj_ln_b))
    cat_emb = _layer_norm(jnp.take(cat_table, cat_id, axis=0), cat_ln_g, cat_ln_b)
    price_emb = _layer_norm(jnp.take(price_table, price_id, axis=0), price_ln_g, price_ln_b)
    word_emb = jnp.take(word_table, word_ids, axis=0)
    concat_emb = jnp.concatenate([sku_emb, cat_emb, price_emb, word_emb], axis=-1)
    item_emb = jax.nn.relu(concat_emb @ fc1_W + fc1_b)
    return item_emb

if __name__ == "__main__":
    import jax
    _d = setup_inputs()
    print(jax.jit(kernel)(*tuple(_d.values())))

</pallas_src>

<mosaic_0001>
#map = affine_map<(d0, d1) -> (0, 0)>
module attributes {stable_mosaic.version = 14 : i64} {
  func.func @_gather2_body(%arg0: i32, %arg1: i32, %arg2: memref<32x6400xi32, #tpu.memory_space<hbm>>, %arg3: memref<32x6400xi32, #tpu.memory_space<hbm>>, %arg4: memref<32x6400xi32, #tpu.memory_space<hbm>>, %arg5: memref<100000x128xf32, #tpu.memory_space<hbm>>, %arg6: memref<100000x128xf32, #tpu.memory_space<hbm>>, %arg7: memref<204800x128xf32, #tpu.memory_space<hbm>>, %arg8: memref<204800x128xf32, #tpu.memory_space<hbm>>, %arg9: memref<6400xi32, #tpu.memory_space<vmem>>, %arg10: memref<6400xi32, #tpu.memory_space<vmem>>, %arg11: memref<6400xi32, #tpu.memory_space<vmem>>, %arg12: memref<256x128xf32, #tpu.memory_space<vmem>>, %arg13: memref<256x128xf32, #tpu.memory_space<vmem>>, %arg14: memref<2x!tpu.dma_semaphore, #tpu.memory_space<semaphore_mem>>, %arg15: memref<!tpu.dma_semaphore, #tpu.memory_space<semaphore_mem>>) attributes {dimension_semantics = [#tpu.dimension_semantics<core_parallel>, #tpu.dimension_semantics<subcore_parallel>], iteration_bounds = array<i64: 2, 16>, scalar_prefetch = 0 : i64, scratch_operands = 7 : i64, tpu.core_type = #tpu.core_type<sc_vector_subcore>, window_params = [{transform_indices = #map}, {transform_indices = #map}, {transform_indices = #map}, {transform_indices = #map}, {transform_indices = #map}, {transform_indices = #map}, {transform_indices = #map}]} {
    %mul3A = arith.constant 2 : i32
    %mul3A_0 = arith.muli %arg1, %mul3A : i32
    %add3A = arith.addi %mul3A_0, %arg0 : i32
    %mul3A_1 = arith.constant 6400 : i32
    %mul3A_2 = arith.muli %add3A, %mul3A_1 : i32
    "tpu.region"() ({
      %run_scoped3A = tpu.sem_alloc : memref<!tpu.dma_semaphore, #tpu.memory_space<semaphore_mem>>
      %dma_start3A = arith.constant 0 : i32
      %dma_start3A_14 = tpu.memref_slice %arg2[%add3A, %dma_start3A] : memref<32x6400xi32, #tpu.memory_space<hbm>> -> memref<1x6400xi32, #tpu.memory_space<hbm>>
      %dma_start3A_15 = tpu.memref_squeeze %dma_start3A_14 : memref<1x6400xi32, #tpu.memory_space<hbm>> -> memref<6400xi32, #tpu.memory_space<hbm>>
      %dma_start3A_16 = arith.constant 0 : i32
      %dma_start3A_17 = tpu.memref_slice %arg2[%add3A, %dma_start3A_16] : memref<32x6400xi32, #tpu.memory_space<hbm>> -> memref<1x6400xi32, #tpu.memory_space<hbm>>
      %dma_start3A_18 = tpu.memref_squeeze %dma_start3A_17 : memref<1x6400xi32, #tpu.memory_space<hbm>> -> memref<6400xi32, #tpu.memory_space<hbm>>
      tpu.enqueue_dma source(%dma_start3A_18 : memref<6400xi32, #tpu.memory_space<hbm>>) target(%arg9 : memref<6400xi32, #tpu.memory_space<vmem>>) target_semaphore(%run_scoped3A : memref<!tpu.dma_semaphore, #tpu.memory_space<semaphore_mem>>)
      %dma_wait3A = arith.constant 0 : i32
      %dma_wait3A_19 = tpu.memref_slice %arg2[%add3A, %dma_wait3A] : memref<32x6400xi32, #tpu.memory_space<hbm>> -> memref<1x6400xi32, #tpu.memory_space<hbm>>
      %dma_wait3A_20 = tpu.memref_squeeze %dma_wait3A_19 : memref<1x6400xi32, #tpu.memory_space<hbm>> -> memref<6400xi32, #tpu.memory_space<hbm>>
      %dma_wait3A_21 = arith.constant 0 : i32
      %dma_wait3A_22 = tpu.memref_slice %arg2[%add3A, %dma_wait3A_21] : memref<32x6400xi32, #tpu.memory_space<hbm>> -> memref<1x6400xi32, #tpu.memory_space<hbm>>
      %dma_wait3A_23 = tpu.memref_squeeze %dma_wait3A_22 : memref<1x6400xi32, #tpu.memory_space<hbm>> -> memref<6400xi32, #tpu.memory_space<hbm>>
      tpu.wait_dma2 semaphore(%run_scoped3A : memref<!tpu.dma_semaphore, #tpu.memory_space<semaphore_mem>>) src(%dma_wait3A_23 : memref<6400xi32, #tpu.memory_space<hbm>>) dst(%arg9 : memref<6400xi32, #tpu.memory_space<vmem>>)
      tpu.yield
    }) : () -> ()
    "tpu.region"() ({
      %run_scoped3A = tpu.sem_alloc : memref<!tpu.dma_semaphore, #tpu.memory_space<semaphore_mem>>
      %dma_start3A = arith.constant 0 : i32
      %dma_start3A_14 = tpu.memref_slice %arg3[%add3A, %dma_start3A] : memref<32x6400xi32, #tpu.memory_space<hbm>> -> memref<1x6400xi32, #tpu.memory_space<hbm>>
      %dma_start3A_15 = tpu.memref_squeeze %dma_start3A_14 : memref<1x6400xi32, #tpu.memory_space<hbm>> -> memref<6400xi32, #tpu.memory_space<hbm>>
      %dma_start3A_16 = arith.constant 0 : i32
      %dma_start3A_17 = tpu.memref_slice %arg3[%add3A, %dma_start3A_16] : memref<32x6400xi32, #tpu.memory_space<hbm>> -> memref<1x6400xi32, #tpu.memory_space<hbm>>
      %dma_start3A_18 = tpu.memref_squeeze %dma_start3A_17 : memref<1x6400xi32, #tpu.memory_space<hbm>> -> memref<6400xi32, #tpu.memory_space<hbm>>
      tpu.enqueue_dma source(%dma_start3A_18 : memref<6400xi32, #tpu.memory_space<hbm>>) target(%arg10 : memref<6400xi32, #tpu.memory_space<vmem>>) target_semaphore(%run_scoped3A : memref<!tpu.dma_semaphore, #tpu.memory_space<semaphore_mem>>)
      %dma_wait3A = arith.constant 0 : i32
      %dma_wait3A_19 = tpu.memref_slice %arg3[%add3A, %dma_wait3A] : memref<32x6400xi32, #tpu.memory_space<hbm>> -> memref<1x6400xi32, #tpu.memory_space<hbm>>
      %dma_wait3A_20 = tpu.memref_squeeze %dma_wait3A_19 : memref<1x6400xi32, #tpu.memory_space<hbm>> -> memref<6400xi32, #tpu.memory_space<hbm>>
      %dma_wait3A_21 = arith.constant 0 : i32
      %dma_wait3A_22 = tpu.memref_slice %arg3[%add3A, %dma_wait3A_21] : memref<32x6400xi32, #tpu.memory_space<hbm>> -> memref<1x6400xi32, #tpu.memory_space<hbm>>
      %dma_wait3A_23 = tpu.memref_squeeze %dma_wait3A_22 : memref<1x6400xi32, #tpu.memory_space<hbm>> -> memref<6400xi32, #tpu.memory_space<hbm>>
      tpu.wait_dma2 semaphore(%run_scoped3A : memref<!tpu.dma_semaphore, #tpu.memory_space<semaphore_mem>>) src(%dma_wait3A_23 : memref<6400xi32, #tpu.memory_space<hbm>>) dst(%arg10 : memref<6400xi32, #tpu.memory_space<vmem>>)
      tpu.yield
    }) : () -> ()
    "tpu.region"() ({
      %run_scoped3A = tpu.sem_alloc : memref<!tpu.dma_semaphore, #tpu.memory_space<semaphore_mem>>
      %dma_start3A = arith.constant 0 : i32
      %dma_start3A_14 = tpu.memref_slice %arg4[%add3A, %dma_start3A] : memref<32x6400xi32, #tpu.memory_space<hbm>> -> memref<1x6400xi32, #tpu.memory_space<hbm>>
      %dma_start3A_15 = tpu.memref_squeeze %dma_start3A_14 : memref<1x6400xi32, #tpu.memory_space<hbm>> -> memref<6400xi32, #tpu.memory_space<hbm>>
      %dma_start3A_16 = arith.constant 0 : i32
      %dma_start3A_17 = tpu.memref_slice %arg4[%add3A, %dma_start3A_16] : memref<32x6400xi32, #tpu.memory_space<hbm>> -> memref<1x6400xi32, #tpu.memory_space<hbm>>
      %dma_start3A_18 = tpu.memref_squeeze %dma_start3A_17 : memref<1x6400xi32, #tpu.memory_space<hbm>> -> memref<6400xi32, #tpu.memory_space<hbm>>
      tpu.enqueue_dma source(%dma_start3A_18 : memref<6400xi32, #tpu.memory_space<hbm>>) target(%arg11 : memref<6400xi32, #tpu.memory_space<vmem>>) target_semaphore(%run_scoped3A : memref<!tpu.dma_semaphore, #tpu.memory_space<semaphore_mem>>)
      %dma_wait3A = arith.constant 0 : i32
      %dma_wait3A_19 = tpu.memref_slice %arg4[%add3A, %dma_wait3A] : memref<32x6400xi32, #tpu.memory_space<hbm>> -> memref<1x6400xi32, #tpu.memory_space<hbm>>
      %dma_wait3A_20 = tpu.memref_squeeze %dma_wait3A_19 : memref<1x6400xi32, #tpu.memory_space<hbm>> -> memref<6400xi32, #tpu.memory_space<hbm>>
      %dma_wait3A_21 = arith.constant 0 : i32
      %dma_wait3A_22 = tpu.memref_slice %arg4[%add3A, %dma_wait3A_21] : memref<32x6400xi32, #tpu.memory_space<hbm>> -> memref<1x6400xi32, #tpu.memory_space<hbm>>
      %dma_wait3A_23 = tpu.memref_squeeze %dma_wait3A_22 : memref<1x6400xi32, #tpu.memory_space<hbm>> -> memref<6400xi32, #tpu.memory_space<hbm>>
      tpu.wait_dma2 semaphore(%run_scoped3A : memref<!tpu.dma_semaphore, #tpu.memory_space<semaphore_mem>>) src(%dma_wait3A_23 : memref<6400xi32, #tpu.memory_space<hbm>>) dst(%arg11 : memref<6400xi32, #tpu.memory_space<vmem>>)
      tpu.yield
    }) : () -> ()
    %scan3A = arith.constant 0 : i32
    %scan3A_3 = arith.constant 0 : i32
    %scan3A_4 = arith.constant 400 : i32
    %scan3A_5 = arith.addi %scan3A_3, %scan3A_4 : i32
    %scan3A_6 = arith.constant 1 : i32
    scf.for %scan3A_14 = %scan3A_3 to %scan3A_5 step %scan3A_6  : i32 {
      %mul3A_15 = arith.constant 16 : i32
      %mul3A_16 = arith.muli %scan3A_14, %mul3A_15 : i32
      %get3A = arith.index_cast %mul3A_16 : i32 to index
      %get3A_17 = tpu.vector_load %arg9[%get3A] {strides = array<i32>} : memref<6400xi32, #tpu.memory_space<vmem>>, vector<16xi32>,
      %get3A_18 = vector.shape_cast %get3A_17 : vector<16xi32> to vector<16xi32>
      %mul3A_19 = arith.constant 100 : i32
      %mul3A_20 = vector.broadcast %mul3A_19 : i32 to vector<16xi32>
      %mul3A_21 = arith.muli %get3A_18, %mul3A_20 : vector<16xi32>
      %get3A_22 = arith.index_cast %mul3A_16 : i32 to index
      %get3A_23 = tpu.vector_load %arg10[%get3A_22] {strides = array<i32>} : memref<6400xi32, #tpu.memory_space<vmem>>, vector<16xi32>,
      %get3A_24 = vector.shape_cast %get3A_23 : vector<16xi32> to vector<16xi32>
      %add3A_25 = arith.addi %mul3A_21, %get3A_24 : vector<16xi32>
      %swap3A = arith.index_cast %mul3A_16 : i32 to index
      %swap3A_26 = tpu.vector_load %arg9[%swap3A] {strides = array<i32>} : memref<6400xi32, #tpu.memory_space<vmem>>, vector<16xi32>,
      %swap3A_27 = vector.shape_cast %swap3A_26 : vector<16xi32> to vector<16xi32>
      %swap3A_28 = vector.shape_cast %add3A_25 : vector<16xi32> to vector<16xi32>
      tpu.vector_store %arg9[%swap3A], %swap3A_28 {strides = array<i32>} : memref<6400xi32, #tpu.memory_space<vmem>>, vector<16xi32>,
    }
    %scan3A_7 = arith.constant 400 : i32
    %scan3A_8 = arith.constant 0 : i32
    %scan3A_9 = arith.constant 0 : i32
    %scan3A_10 = arith.constant 25 : i32
    %scan3A_11 = arith.addi %scan3A_9, %scan3A_10 : i32
    %scan3A_12 = arith.constant 1 : i32
    scf.for %scan3A_14 = %scan3A_9 to %scan3A_11 step %scan3A_12  : i32 {
      %mul3A_15 = arith.constant 2 : i32
      %mul3A_16 = arith.muli %scan3A_14, %mul3A_15 : i32
      %add3A_17 = arith.constant 0 : i32
      %add3A_18 = arith.addi %mul3A_16, %add3A_17 : i32
      %mul3A_19 = arith.constant 128 : i32
      %mul3A_20 = arith.muli %add3A_18, %mul3A_19 : i32
      %dma_start3A = arith.constant 0 : i32
      %dma_start3A_21 = arith.constant 0 : i32
      %dma_start3A_22 = arith.constant 0 : i32
      %dma_start3A_23 = tpu.memref_slice %arg12[%dma_start3A_21, %dma_start3A_22] : memref<256x128xf32, #tpu.memory_space<vmem>> -> memref<128x128xf32, #tpu.memory_space<vmem>>
      %dma_start3A_24 = tpu.memref_slice %arg9[%mul3A_20] : memref<6400xi32, #tpu.memory_space<vmem>> -> memref<128xi32, #tpu.memory_space<vmem>>
      %dma_start3A_25 = arith.constant 0 : i32
      %dma_start3A_26 = arith.constant 0 : i32
      %dma_start3A_27 = tpu.memref_slice %arg5[%dma_start3A_25, %dma_start3A_26] : memref<100000x128xf32, #tpu.memory_space<hbm>> -> memref<100000x128xf32, #tpu.memory_space<hbm>>
      %dma_start3A_28 = tpu.memref_slice %arg14[%dma_start3A] : memref<2x!tpu.dma_semaphore, #tpu.memory_space<semaphore_mem>> -> memref<1x!tpu.dma_semaphore, #tpu.memory_space<semaphore_mem>>
      %dma_start3A_29 = tpu.memref_squeeze %dma_start3A_28 : memref<1x!tpu.dma_semaphore, #tpu.memory_space<semaphore_mem>> -> memref<!tpu.dma_semaphore, #tpu.memory_space<semaphore_mem>>
      tpu.enqueue_indirect_dma source(%dma_start3A_27 : memref<100000x128xf32, #tpu.memory_space<hbm>>) target(%dma_start3A_23 : memref<128x128xf32, #tpu.memory_space<vmem>>) offsets(%dma_start3A_24 : memref<128xi32, #tpu.memory_space<vmem>>) semaphore(%dma_start3A_29 : memref<!tpu.dma_semaphore, #tpu.memory_space<semaphore_mem>>)
      %add3A_30 = arith.constant 0 : i32
      %add3A_31 = arith.addi %mul3A_16, %add3A_30 : i32
      %mul3A_32 = arith.constant 128 : i32
      %mul3A_33 = arith.muli %add3A_31, %mul3A_32 : i32
      %dma_start3A_34 = arith.constant 0 : i32
      %dma_start3A_35 = arith.constant 0 : i32
      %dma_start3A_36 = arith.constant 0 : i32
      %dma_start3A_37 = tpu.memref_slice %arg13[%dma_start3A_35, %dma_start3A_36] : memref<256x128xf32, #tpu.memory_space<vmem>> -> memref<128x128xf32, #tpu.memory_space<vmem>>
      %dma_start3A_38 = tpu.memref_slice %arg11[%mul3A_33] : memref<6400xi32, #tpu.memory_space<vmem>> -> memref<128xi32, #tpu.memory_space<vmem>>
      %dma_start3A_39 = arith.constant 0 : i32
      %dma_start3A_40 = arith.constant 0 : i32
      %dma_start3A_41 = tpu.memref_slice %arg6[%dma_start3A_39, %dma_start3A_40] : memref<100000x128xf32, #tpu.memory_space<hbm>> -> memref<100000x128xf32, #tpu.memory_space<hbm>>
      %dma_start3A_42 = tpu.memref_slice %arg14[%dma_start3A_34] : memref<2x!tpu.dma_semaphore, #tpu.memory_space<semaphore_mem>> -> memref<1x!tpu.dma_semaphore, #tpu.memory_space<semaphore_mem>>
      %dma_start3A_43 = tpu.memref_squeeze %dma_start3A_42 : memref<1x!tpu.dma_semaphore, #tpu.memory_space<semaphore_mem>> -> memref<!tpu.dma_semaphore, #tpu.memory_space<semaphore_mem>>
      tpu.enqueue_indirect_dma source(%dma_start3A_41 : memref<100000x128xf32, #tpu.memory_space<hbm>>) target(%dma_start3A_37 : memref<128x128xf32, #tpu.memory_space<vmem>>) offsets(%dma_start3A_38 : memref<128xi32, #tpu.memory_space<vmem>>) semaphore(%dma_start3A_43 : memref<!tpu.dma_semaphore, #tpu.memory_space<semaphore_mem>>)
      %add3A_44 = arith.constant 1 : i32
      %add3A_45 = arith.addi %mul3A_16, %add3A_44 : i32
      %mul3A_46 = arith.constant 128 : i32
      %mul3A_47 = arith.muli %add3A_45, %mul3A_46 : i32
      %dma_start3A_48 = arith.constant 1 : i32
      %dma_start3A_49 = arith.constant 128 : i32
      %dma_start3A_50 = arith.constant 0 : i32
      %dma_start3A_51 = tpu.memref_slice %arg12[%dma_start3A_49, %dma_start3A_50] : memref<256x128xf32, #tpu.memory_space<vmem>> -> memref<128x128xf32, #tpu.memory_space<vmem>>
      %dma_start3A_52 = tpu.memref_slice %arg9[%mul3A_47] : memref<6400xi32, #tpu.memory_space<vmem>> -> memref<128xi32, #tpu.memory_space<vmem>>
      %dma_start3A_53 = arith.constant 0 : i32
      %dma_start3A_54 = arith.constant 0 : i32
      %dma_start3A_55 = tpu.memref_slice %arg5[%dma_start3A_53, %dma_start3A_54] : memref<100000x128xf32, #tpu.memory_space<hbm>> -> memref<100000x128xf32, #tpu.memory_space<hbm>>
      %dma_start3A_56 = tpu.memref_slice %arg14[%dma_start3A_48] : memref<2x!tpu.dma_semaphore, #tpu.memory_space<semaphore_mem>> -> memref<1x!tpu.dma_semaphore, #tpu.memory_space<semaphore_mem>>
      %dma_start3A_57 = tpu.memref_squeeze %dma_start3A_56 : memref<1x!tpu.dma_semaphore, #tpu.memory_space<semaphore_mem>> -> memref<!tpu.dma_semaphore, #tpu.memory_space<semaphore_mem>>
      tpu.enqueue_indirect_dma source(%dma_start3A_55 : memref<100000x128xf32, #tpu.memory_space<hbm>>) target(%dma_start3A_51 : memref<128x128xf32, #tpu.memory_space<vmem>>) offsets(%dma_start3A_52 : memref<128xi32, #tpu.memory_space<vmem>>) semaphore(%dma_start3A_57 : memref<!tpu.dma_semaphore, #tpu.memory_space<semaphore_mem>>)
      %add3A_58 = arith.constant 1 : i32
      %add3A_59 = arith.addi %mul3A_16, %add3A_58 : i32
      %mul3A_60 = arith.constant 128 : i32
      %mul3A_61 = arith.muli %add3A_59, %mul3A_60 : i32
      %dma_start3A_62 = arith.constant 1 : i32
      %dma_start3A_63 = arith.constant 128 : i32
      %dma_start3A_64 = arith.constant 0 : i32
      %dma_start3A_65 = tpu.memref_slice %arg13[%dma_start3A_63, %dma_start3A_64] : memref<256x128xf32, #tpu.memory_space<vmem>> -> memref<128x128xf32, #tpu.memory_space<vmem>>
      %dma_start3A_66 = tpu.memref_slice %arg11[%mul3A_61] : memref<6400xi32, #tpu.memory_space<vmem>> -> memref<128xi32, #tpu.memory_space<vmem>>
      %dma_start3A_67 = arith.constant 0 : i32
      %dma_start3A_68 = arith.constant 0 : i32
      %dma_start3A_69 = tpu.memref_slice %arg6[%dma_start3A_67, %dma_start3A_68] : memref<100000x128xf32, #tpu.memory_space<hbm>> -> memref<100000x128xf32, #tpu.memory_space<hbm>>
      %dma_start3A_70 = tpu.memref_slice %arg14[%dma_start3A_62] : memref<2x!tpu.dma_semaphore, #tpu.memory_space<semaphore_mem>> -> memref<1x!tpu.dma_semaphore, #tpu.memory_space<semaphore_mem>>
      %dma_start3A_71 = tpu.memref_squeeze %dma_start3A_70 : memref<1x!tpu.dma_semaphore, #tpu.memory_space<semaphore_mem>> -> memref<!tpu.dma_semaphore, #tpu.memory_space<semaphore_mem>>
      tpu.enqueue_indirect_dma source(%dma_start3A_69 : memref<100000x128xf32, #tpu.memory_space<hbm>>) target(%dma_start3A_65 : memref<128x128xf32, #tpu.memory_space<vmem>>) offsets(%dma_start3A_66 : memref<128xi32, #tpu.memory_space<vmem>>) semaphore(%dma_start3A_71 : memref<!tpu.dma_semaphore, #tpu.memory_space<semaphore_mem>>)
      %dma_wait3A = arith.constant 0 : i32
      %dma_wait3A_72 = arith.constant 0 : i32
      %dma_wait3A_73 = arith.constant 0 : i32
      %dma_wait3A_74 = tpu.memref_slice %arg12[%dma_wait3A_72, %dma_wait3A_73] : memref<256x128xf32, #tpu.memory_space<vmem>> -> memref<128x128xf32, #tpu.memory_space<vmem>>
      %dma_wait3A_75 = tpu.memref_slice %arg9[%mul3A_20] : memref<6400xi32, #tpu.memory_space<vmem>> -> memref<128xi32, #tpu.memory_space<vmem>>
      %dma_wait3A_76 = arith.constant 0 : i32
      %dma_wait3A_77 = arith.constant 0 : i32
      %dma_wait3A_78 = tpu.memref_slice %arg5[%dma_wait3A_76, %dma_wait3A_77] : memref<100000x128xf32, #tpu.memory_space<hbm>> -> memref<100000x128xf32, #tpu.memory_space<hbm>>
      %dma_wait3A_79 = tpu.memref_slice %arg14[%dma_wait3A] : memref<2x!tpu.dma_semaphore, #tpu.memory_space<semaphore_mem>> -> memref<1x!tpu.dma_semaphore, #tpu.memory_space<semaphore_mem>>
      %dma_wait3A_80 = tpu.memref_squeeze %dma_wait3A_79 : memref<1x!tpu.dma_semaphore, #tpu.memory_space<semaphore_mem>> -> memref<!tpu.dma_semaphore, #tpu.memory_space<semaphore_mem>>
      tpu.wait_indirect_dma semaphore(%dma_wait3A_80 : memref<!tpu.dma_semaphore, #tpu.memory_space<semaphore_mem>>) src(%dma_wait3A_78 : memref<100000x128xf32, #tpu.memory_space<hbm>>) dst(%dma_wait3A_74 : memref<128x128xf32, #tpu.memory_space<vmem>>)
      %dma_wait3A_81 = arith.constant 0 : i32
      %dma_wait3A_82 = arith.constant 0 : i32
      %dma_wait3A_83 = arith.constant 0 : i32
      %dma_wait3A_84 = tpu.memref_slice %arg13[%dma_wait3A_82, %dma_wait3A_83] : memref<256x128xf32, #tpu.memory_space<vmem>> -> memref<128x128xf32, #tpu.memory_space<vmem>>
      %dma_wait3A_85 = tpu.memref_slice %arg11[%mul3A_33] : memref<6400xi32, #tpu.memory_space<vmem>> -> memref<128xi32, #tpu.memory_space<vmem>>
      %dma_wait3A_86 = arith.constant 0 : i32
      %dma_wait3A_87 = arith.constant 0 : i32
      %dma_wait3A_88 = tpu.memref_slice %arg6[%dma_wait3A_86, %dma_wait3A_87] : memref<100000x128xf32, #tpu.memory_space<hbm>> -> memref<100000x128xf32, #tpu.memory_space<hbm>>
      %dma_wait3A_89 = tpu.memref_slice %arg14[%dma_wait3A_81] : memref<2x!tpu.dma_semaphore, #tpu.memory_space<semaphore_mem>> -> memref<1x!tpu.dma_semaphore, #tpu.memory_space<semaphore_mem>>
      %dma_wait3A_90 = tpu.memref_squeeze %dma_wait3A_89 : memref<1x!tpu.dma_semaphore, #tpu.memory_space<semaphore_mem>> -> memref<!tpu.dma_semaphore, #tpu.memory_space<semaphore_mem>>
      tpu.wait_indirect_dma semaphore(%dma_wait3A_90 : memref<!tpu.dma_semaphore, #tpu.memory_space<semaphore_mem>>) src(%dma_wait3A_88 : memref<100000x128xf32, #tpu.memory_space<hbm>>) dst(%dma_wait3A_84 : memref<128x128xf32, #tpu.memory_space<vmem>>)
      %dma_wait3A_91 = arith.constant 1 : i32
      %dma_wait3A_92 = arith.constant 128 : i32
      %dma_wait3A_93 = arith.constant 0 : i32
      %dma_wait3A_94 = tpu.memref_slice %arg12[%dma_wait3A_92, %dma_wait3A_93] : memref<256x128xf32, #tpu.memory_space<vmem>> -> memref<128x128xf32, #tpu.memory_space<vmem>>
      %dma_wait3A_95 = tpu.memref_slice %arg9[%mul3A_47] : memref<6400xi32, #tpu.memory_space<vmem>> -> memref<128xi32, #tpu.memory_space<vmem>>
      %dma_wait3A_96 = arith.constant 0 : i32
      %dma_wait3A_97 = arith.constant 0 : i32
      %dma_wait3A_98 = tpu.memref_slice %arg5[%dma_wait3A_96, %dma_wait3A_97] : memref<100000x128xf32, #tpu.memory_space<hbm>> -> memref<100000x128xf32, #tpu.memory_space<hbm>>
      %dma_wait3A_99 = tpu.memref_slice %arg14[%dma_wait3A_91] : memref<2x!tpu.dma_semaphore, #tpu.memory_space<semaphore_mem>> -> memref<1x!tpu.dma_semaphore, #tpu.memory_space<semaphore_mem>>
      %dma_wait3A_100 = tpu.memref_squeeze %dma_wait3A_99 : memref<1x!tpu.dma_semaphore, #tpu.memory_space<semaphore_mem>> -> memref<!tpu.dma_semaphore, #tpu.memory_space<semaphore_mem>>
      tpu.wait_indirect_dma semaphore(%dma_wait3A_100 : memref<!tpu.dma_semaphore, #tpu.memory_space<semaphore_mem>>) src(%dma_wait3A_98 : memref<100000x128xf32, #tpu.memory_space<hbm>>) dst(%dma_wait3A_94 : memref<128x128xf32, #tpu.memory_space<vmem>>)
      %dma_wait3A_101 = arith.constant 1 : i32
      %dma_wait3A_102 = arith.constant 128 : i32
      %dma_wait3A_103 = arith.constant 0 : i32
      %dma_wait3A_104 = tpu.memref_slice %arg13[%dma_wait3A_102, %dma_wait3A_103] : memref<256x128xf32, #tpu.memory_space<vmem>> -> memref<128x128xf32, #tpu.memory_space<vmem>>
      %dma_wait3A_105 = tpu.memref_slice %arg11[%mul3A_61] : memref<6400xi32, #tpu.memory_space<vmem>> -> memref<128xi32, #tpu.memory_space<vmem>>
      %dma_wait3A_106 = arith.constant 0 : i32
      %dma_wait3A_107 = arith.constant 0 : i32
      %dma_wait3A_108 = tpu.memref_slice %arg6[%dma_wait3A_106, %dma_wait3A_107] : memref<100000x128xf32, #tpu.memory_space<hbm>> -> memref<100000x128xf32, #tpu.memory_space<hbm>>
      %dma_wait3A_109 = tpu.memref_slice %arg14[%dma_wait3A_101] : memref<2x!tpu.dma_semaphore, #tpu.memory_space<semaphore_mem>> -> memref<1x!tpu.dma_semaphore, #tpu.memory_space<semaphore_mem>>
      %dma_wait3A_110 = tpu.memref_squeeze %dma_wait3A_109 : memref<1x!tpu.dma_semaphore, #tpu.memory_space<semaphore_mem>> -> memref<!tpu.dma_semaphore, #tpu.memory_space<semaphore_mem>>
      tpu.wait_indirect_dma semaphore(%dma_wait3A_110 : memref<!tpu.dma_semaphore, #tpu.memory_space<semaphore_mem>>) src(%dma_wait3A_108 : memref<100000x128xf32, #tpu.memory_space<hbm>>) dst(%dma_wait3A_104 : memref<128x128xf32, #tpu.memory_space<vmem>>)
      %mul3A_111 = arith.constant 128 : i32
      %mul3A_112 = arith.muli %mul3A_16, %mul3A_111 : i32
      %add3A_113 = arith.addi %mul3A_2, %mul3A_112 : i32
      %dma_start3A_114 = arith.constant 0 : i32
      %dma_start3A_115 = tpu.memref_slice %arg7[%add3A_113, %dma_start3A_114] : memref<204800x128xf32, #tpu.memory_space<hbm>> -> memref<256x128xf32, #tpu.memory_space<hbm>>
      %dma_start3A_116 = arith.constant 0 : i32
      %dma_start3A_117 = tpu.memref_slice %arg7[%add3A_113, %dma_start3A_116] : memref<204800x128xf32, #tpu.memory_space<hbm>> -> memref<256x128xf32, #tpu.memory_space<hbm>>
      tpu.enqueue_dma source(%arg12 : memref<256x128xf32, #tpu.memory_space<vmem>>) target(%dma_start3A_117 : memref<256x128xf32, #tpu.memory_space<hbm>>) target_semaphore(%arg15 : memref<!tpu.dma_semaphore, #tpu.memory_space<semaphore_mem>>)
      %dma_start3A_118 = arith.constant 0 : i32
      %dma_start3A_119 = tpu.memref_slice %arg8[%add3A_113, %dma_start3A_118] : memref<204800x128xf32, #tpu.memory_space<hbm>> -> memref<256x128xf32, #tpu.memory_space<hbm>>
      %dma_start3A_120 = arith.constant 0 : i32
      %dma_start3A_121 = tpu.memref_slice %arg8[%add3A_113, %dma_start3A_120] : memref<204800x128xf32, #tpu.memory_space<hbm>> -> memref<256x128xf32, #tpu.memory_space<hbm>>
      tpu.enqueue_dma source(%arg13 : memref<256x128xf32, #tpu.memory_space<vmem>>) target(%dma_start3A_121 : memref<256x128xf32, #tpu.memory_space<hbm>>) target_semaphore(%arg15 : memref<!tpu.dma_semaphore, #tpu.memory_space<semaphore_mem>>)
      %dma_wait3A_122 = arith.constant 0 : i32
      %dma_wait3A_123 = tpu.memref_slice %arg7[%add3A_113, %dma_wait3A_122] : memref<204800x128xf32, #tpu.memory_space<hbm>> -> memref<256x128xf32, #tpu.memory_space<hbm>>
      %dma_wait3A_124 = arith.constant 0 : i32
      %dma_wait3A_125 = tpu.memref_slice %arg7[%add3A_113, %dma_wait3A_124] : memref<204800x128xf32, #tpu.memory_space<hbm>> -> memref<256x128xf32, #tpu.memory_space<hbm>>
      tpu.wait_dma2 semaphore(%arg15 : memref<!tpu.dma_semaphore, #tpu.memory_space<semaphore_mem>>) src(%arg12 : memref<256x128xf32, #tpu.memory_space<vmem>>) dst(%dma_wait3A_125 : memref<256x128xf32, #tpu.memory_space<hbm>>)
      %dma_wait3A_126 = arith.constant 0 : i32
      %dma_wait3A_127 = tpu.memref_slice %arg8[%add3A_113, %dma_wait3A_126] : memref<204800x128xf32, #tpu.memory_space<hbm>> -> memref<256x128xf32, #tpu.memory_space<hbm>>
      %dma_wait3A_128 = arith.constant 0 : i32
      %dma_wait3A_129 = tpu.memref_slice %arg8[%add3A_113, %dma_wait3A_128] : memref<204800x128xf32, #tpu.memory_space<hbm>> -> memref<256x128xf32, #tpu.memory_space<hbm>>
      tpu.wait_dma2 semaphore(%arg15 : memref<!tpu.dma_semaphore, #tpu.memory_space<semaphore_mem>>) src(%arg13 : memref<256x128xf32, #tpu.memory_space<vmem>>) dst(%dma_wait3A_129 : memref<256x128xf32, #tpu.memory_space<hbm>>)
    }
    %scan3A_13 = arith.constant 25 : i32
    return
  }
}

#map = affine_map<(d0, d1) -> (0, 0)>
module attributes {stable_mosaic.version = 14 : i64} {
  func.func @_gather_sku_body(%arg0: i32, %arg1: i32, %arg2: memref<32x6400xi32, #tpu.memory_space<hbm>>, %arg3: memref<1000000x64xf32, #tpu.memory_space<hbm>>, %arg4: memref<204800x64xf32, #tpu.memory_space<hbm>>, %arg5: memref<6400xi32, #tpu.memory_space<vmem>>, %arg6: memref<2x128x64xf32, #tpu.memory_space<vmem>>, %arg7: memref<2x!tpu.dma_semaphore, #tpu.memory_space<semaphore_mem>>, %arg8: memref<2x!tpu.dma_semaphore, #tpu.memory_space<semaphore_mem>>) attributes {dimension_semantics = [#tpu.dimension_semantics<core_parallel>, #tpu.dimension_semantics<subcore_parallel>], iteration_bounds = array<i64: 2, 16>, scalar_prefetch = 0 : i64, scratch_operands = 4 : i64, tpu.core_type = #tpu.core_type<sc_vector_subcore>, window_params = [{transform_indices = #map}, {transform_indices = #map}, {transform_indices = #map}]} {
    %mul3A = arith.constant 2 : i32
    %mul3A_0 = arith.muli %arg1, %mul3A : i32
    %add3A = arith.addi %mul3A_0, %arg0 : i32
    %mul3A_1 = arith.constant 6400 : i32
    %mul3A_2 = arith.muli %add3A, %mul3A_1 : i32
    "tpu.region"() ({
      %run_scoped3A = tpu.sem_alloc : memref<!tpu.dma_semaphore, #tpu.memory_space<semaphore_mem>>
      %dma_start3A = arith.constant 0 : i32
      %dma_start3A_8 = tpu.memref_slice %arg2[%add3A, %dma_start3A] : memref<32x6400xi32, #tpu.memory_space<hbm>> -> memref<1x6400xi32, #tpu.memory_space<hbm>>
      %dma_start3A_9 = tpu.memref_squeeze %dma_start3A_8 : memref<1x6400xi32, #tpu.memory_space<hbm>> -> memref<6400xi32, #tpu.memory_space<hbm>>
      %dma_start3A_10 = arith.constant 0 : i32
      %dma_start3A_11 = tpu.memref_slice %arg2[%add3A, %dma_start3A_10] : memref<32x6400xi32, #tpu.memory_space<hbm>> -> memref<1x6400xi32, #tpu.memory_space<hbm>>
      %dma_start3A_12 = tpu.memref_squeeze %dma_start3A_11 : memref<1x6400xi32, #tpu.memory_space<hbm>> -> memref<6400xi32, #tpu.memory_space<hbm>>
      tpu.enqueue_dma source(%dma_start3A_12 : memref<6400xi32, #tpu.memory_space<hbm>>) target(%arg5 : memref<6400xi32, #tpu.memory_space<vmem>>) target_semaphore(%run_scoped3A : memref<!tpu.dma_semaphore, #tpu.memory_space<semaphore_mem>>)
      %dma_wait3A = arith.constant 0 : i32
      %dma_wait3A_13 = tpu.memref_slice %arg2[%add3A, %dma_wait3A] : memref<32x6400xi32, #tpu.memory_space<hbm>> -> memref<1x6400xi32, #tpu.memory_space<hbm>>
      %dma_wait3A_14 = tpu.memref_squeeze %dma_wait3A_13 : memref<1x6400xi32, #tpu.memory_space<hbm>> -> memref<6400xi32, #tpu.memory_space<hbm>>
      %dma_wait3A_15 = arith.constant 0 : i32
      %dma_wait3A_16 = tpu.memref_slice %arg2[%add3A, %dma_wait3A_15] : memref<32x6400xi32, #tpu.memory_space<hbm>> -> memref<1x6400xi32, #tpu.memory_space<hbm>>
      %dma_wait3A_17 = tpu.memref_squeeze %dma_wait3A_16 : memref<1x6400xi32, #tpu.memory_space<hbm>> -> memref<6400xi32, #tpu.memory_space<hbm>>
      tpu.wait_dma2 semaphore(%run_scoped3A : memref<!tpu.dma_semaphore, #tpu.memory_space<semaphore_mem>>) src(%dma_wait3A_17 : memref<6400xi32, #tpu.memory_space<hbm>>) dst(%arg5 : memref<6400xi32, #tpu.memory_space<vmem>>)
      tpu.yield
    }) : () -> ()
    %scan3A = arith.constant 0 : i32
    %scan3A_3 = arith.constant 0 : i32
    %scan3A_4 = arith.constant 25 : i32
    %scan3A_5 = arith.addi %scan3A_3, %scan3A_4 : i32
    %scan3A_6 = arith.constant 1 : i32
    scf.for %scan3A_8 = %scan3A_3 to %scan3A_5 step %scan3A_6  : i32 {
      %mul3A_9 = arith.constant 2 : i32
      %mul3A_10 = arith.muli %scan3A_8, %mul3A_9 : i32
      %add3A_11 = arith.constant 0 : i32
      %add3A_12 = arith.addi %mul3A_10, %add3A_11 : i32
      %mul3A_13 = arith.constant 128 : i32
      %mul3A_14 = arith.muli %add3A_12, %mul3A_13 : i32
      %dma_start3A = arith.constant 0 : i32
      %dma_start3A_15 = arith.constant 0 : i32
      %dma_start3A_16 = arith.constant 0 : i32
      %dma_start3A_17 = arith.constant 0 : i32
      %dma_start3A_18 = tpu.memref_slice %arg6[%dma_start3A, %dma_start3A_16, %dma_start3A_17] : memref<2x128x64xf32, #tpu.memory_space<vmem>> -> memref<1x128x64xf32, #tpu.memory_space<vmem>>
      %dma_start3A_19 = tpu.memref_squeeze %dma_start3A_18 : memref<1x128x64xf32, #tpu.memory_space<vmem>> -> memref<128x64xf32, #tpu.memory_space<vmem>>
      %dma_start3A_20 = tpu.memref_slice %arg5[%mul3A_14] : memref<6400xi32, #tpu.memory_space<vmem>> -> memref<128xi32, #tpu.memory_space<vmem>>
      %dma_start3A_21 = arith.constant 0 : i32
      %dma_start3A_22 = arith.constant 0 : i32
      %dma_start3A_23 = tpu.memref_slice %arg3[%dma_start3A_21, %dma_start3A_22] : memref<1000000x64xf32, #tpu.memory_space<hbm>> -> memref<1000000x64xf32, #tpu.memory_space<hbm>>
      %dma_start3A_24 = tpu.memref_slice %arg7[%dma_start3A_15] : memref<2x!tpu.dma_semaphore, #tpu.memory_space<semaphore_mem>> -> memref<1x!tpu.dma_semaphore, #tpu.memory_space<semaphore_mem>>
      %dma_start3A_25 = tpu.memref_squeeze %dma_start3A_24 : memref<1x!tpu.dma_semaphore, #tpu.memory_space<semaphore_mem>> -> memref<!tpu.dma_semaphore, #tpu.memory_space<semaphore_mem>>
      tpu.enqueue_indirect_dma source(%dma_start3A_23 : memref<1000000x64xf32, #tpu.memory_space<hbm>>) target(%dma_start3A_19 : memref<128x64xf32, #tpu.memory_space<vmem>>) offsets(%dma_start3A_20 : memref<128xi32, #tpu.memory_space<vmem>>) semaphore(%dma_start3A_25 : memref<!tpu.dma_semaphore, #tpu.memory_space<semaphore_mem>>)
      %mul3A_26 = arith.constant 2 : i32
      %mul3A_27 = arith.muli %scan3A_8, %mul3A_26 : i32
      %add3A_28 = arith.constant 1 : i32
      %add3A_29 = arith.addi %mul3A_27, %add3A_28 : i32
      %mul3A_30 = arith.constant 128 : i32
      %mul3A_31 = arith.muli %add3A_29, %mul3A_30 : i32
      %dma_start3A_32 = arith.constant 1 : i32
      %dma_start3A_33 = arith.constant 1 : i32
      %dma_start3A_34 = arith.constant 0 : i32
      %dma_start3A_35 = arith.constant 0 : i32
      %dma_start3A_36 = tpu.memref_slice %arg6[%dma_start3A_32, %dma_start3A_34, %dma_start3A_35] : memref<2x128x64xf32, #tpu.memory_space<vmem>> -> memref<1x128x64xf32, #tpu.memory_space<vmem>>
      %dma_start3A_37 = tpu.memref_squeeze %dma_start3A_36 : memref<1x128x64xf32, #tpu.memory_space<vmem>> -> memref<128x64xf32, #tpu.memory_space<vmem>>
      %dma_start3A_38 = tpu.memref_slice %arg5[%mul3A_31] : memref<6400xi32, #tpu.memory_space<vmem>> -> memref<128xi32, #tpu.memory_space<vmem>>
      %dma_start3A_39 = arith.constant 0 : i32
      %dma_start3A_40 = arith.constant 0 : i32
      %dma_start3A_41 = tpu.memref_slice %arg3[%dma_start3A_39, %dma_start3A_40] : memref<1000000x64xf32, #tpu.memory_space<hbm>> -> memref<1000000x64xf32, #tpu.memory_space<hbm>>
      %dma_start3A_42 = tpu.memref_slice %arg7[%dma_start3A_33] : memref<2x!tpu.dma_semaphore, #tpu.memory_space<semaphore_mem>> -> memref<1x!tpu.dma_semaphore, #tpu.memory_space<semaphore_mem>>
      %dma_start3A_43 = tpu.memref_squeeze %dma_start3A_42 : memref<1x!tpu.dma_semaphore, #tpu.memory_space<semaphore_mem>> -> memref<!tpu.dma_semaphore, #tpu.memory_space<semaphore_mem>>
      tpu.enqueue_indirect_dma source(%dma_start3A_41 : memref<1000000x64xf32, #tpu.memory_space<hbm>>) target(%dma_start3A_37 : memref<128x64xf32, #tpu.memory_space<vmem>>) offsets(%dma_start3A_38 : memref<128xi32, #tpu.memory_space<vmem>>) semaphore(%dma_start3A_43 : memref<!tpu.dma_semaphore, #tpu.memory_space<semaphore_mem>>)
      %dma_wait3A = arith.constant 0 : i32
      %dma_wait3A_44 = arith.constant 0 : i32
      %dma_wait3A_45 = arith.constant 0 : i32
      %dma_wait3A_46 = arith.constant 0 : i32
      %dma_wait3A_47 = tpu.memref_slice %arg6[%dma_wait3A, %dma_wait3A_45, %dma_wait3A_46] : memref<2x128x64xf32, #tpu.memory_space<vmem>> -> memref<1x128x64xf32, #tpu.memory_space<vmem>>
      %dma_wait3A_48 = tpu.memref_squeeze %dma_wait3A_47 : memref<1x128x64xf32, #tpu.memory_space<vmem>> -> memref<128x64xf32, #tpu.memory_space<vmem>>
      %dma_wait3A_49 = tpu.memref_slice %arg5[%mul3A_14] : memref<6400xi32, #tpu.memory_space<vmem>> -> memref<128xi32, #tpu.memory_space<vmem>>
      %dma_wait3A_50 = arith.constant 0 : i32
      %dma_wait3A_51 = arith.constant 0 : i32
      %dma_wait3A_52 = tpu.memref_slice %arg3[%dma_wait3A_50, %dma_wait3A_51] : memref<1000000x64xf32, #tpu.memory_space<hbm>> -> memref<1000000x64xf32, #tpu.memory_space<hbm>>
      %dma_wait3A_53 = tpu.memref_slice %arg7[%dma_wait3A_44] : memref<2x!tpu.dma_semaphore, #tpu.memory_space<semaphore_mem>> -> memref<1x!tpu.dma_semaphore, #tpu.memory_space<semaphore_mem>>
      %dma_wait3A_54 = tpu.memref_squeeze %dma_wait3A_53 : memref<1x!tpu.dma_semaphore, #tpu.memory_space<semaphore_mem>> -> memref<!tpu.dma_semaphore, #tpu.memory_space<semaphore_mem>>
      tpu.wait_indirect_dma semaphore(%dma_wait3A_54 : memref<!tpu.dma_semaphore, #tpu.memory_space<semaphore_mem>>) src(%dma_wait3A_52 : memref<1000000x64xf32, #tpu.memory_space<hbm>>) dst(%dma_wait3A_48 : memref<128x64xf32, #tpu.memory_space<vmem>>)
      %mul3A_55 = arith.constant 2 : i32
      %mul3A_56 = arith.muli %scan3A_8, %mul3A_55 : i32
      %add3A_57 = arith.constant 0 : i32
      %add3A_58 = arith.addi %mul3A_56, %add3A_57 : i32
      %mul3A_59 = arith.constant 128 : i32
      %mul3A_60 = arith.muli %add3A_58, %mul3A_59 : i32
      %add3A_61 = arith.addi %mul3A_2, %mul3A_60 : i32
      %dma_start3A_62 = arith.constant 0 : i32
      %dma_start3A_63 = arith.constant 0 : i32
      %dma_start3A_64 = arith.constant 0 : i32
      %dma_start3A_65 = arith.constant 0 : i32
      %dma_start3A_66 = tpu.memref_slice %arg6[%dma_start3A_62, %dma_start3A_64, %dma_start3A_65] : memref<2x128x64xf32, #tpu.memory_space<vmem>> -> memref<1x128x64xf32, #tpu.memory_space<vmem>>
      %dma_start3A_67 = tpu.memref_squeeze %dma_start3A_66 : memref<1x128x64xf32, #tpu.memory_space<vmem>> -> memref<128x64xf32, #tpu.memory_space<vmem>>
      %dma_start3A_68 = arith.constant 0 : i32
      %dma_start3A_69 = tpu.memref_slice %arg4[%add3A_61, %dma_start3A_68] : memref<204800x64xf32, #tpu.memory_space<hbm>> -> memref<128x64xf32, #tpu.memory_space<hbm>>
      %dma_start3A_70 = tpu.memref_slice %arg8[%dma_start3A_63] : memref<2x!tpu.dma_semaphore, #tpu.memory_space<semaphore_mem>> -> memref<1x!tpu.dma_semaphore, #tpu.memory_space<semaphore_mem>>
      %dma_start3A_71 = tpu.memref_squeeze %dma_start3A_70 : memref<1x!tpu.dma_semaphore, #tpu.memory_space<semaphore_mem>> -> memref<!tpu.dma_semaphore, #tpu.memory_space<semaphore_mem>>
      %dma_start3A_72 = arith.constant 0 : i32
      %dma_start3A_73 = tpu.memref_slice %arg4[%add3A_61, %dma_start3A_72] : memref<204800x64xf32, #tpu.memory_space<hbm>> -> memref<128x64xf32, #tpu.memory_space<hbm>>
      %dma_start3A_74 = arith.constant 0 : i32
      %dma_start3A_75 = arith.constant 0 : i32
      %dma_start3A_76 = tpu.memref_slice %arg6[%dma_start3A_62, %dma_start3A_74, %dma_start3A_75] : memref<2x128x64xf32, #tpu.memory_space<vmem>> -> memref<1x128x64xf32, #tpu.memory_space<vmem>>
      %dma_start3A_77 = tpu.memref_squeeze %dma_start3A_76 : memref<1x128x64xf32, #tpu.memory_space<vmem>> -> memref<128x64xf32, #tpu.memory_space<vmem>>
      tpu.enqueue_dma source(%dma_start3A_77 : memref<128x64xf32, #tpu.memory_space<vmem>>) target(%dma_start3A_73 : memref<128x64xf32, #tpu.memory_space<hbm>>) target_semaphore(%dma_start3A_71 : memref<!tpu.dma_semaphore, #tpu.memory_space<semaphore_mem>>)
      %dma_wait3A_78 = arith.constant 1 : i32
      %dma_wait3A_79 = arith.constant 1 : i32
      %dma_wait3A_80 = arith.constant 0 : i32
      %dma_wait3A_81 = arith.constant 0 : i32
      %dma_wait3A_82 = tpu.memref_slice %arg6[%dma_wait3A_78, %dma_wait3A_80, %dma_wait3A_81] : memref<2x128x64xf32, #tpu.memory_space<vmem>> -> memref<1x128x64xf32, #tpu.memory_space<vmem>>
      %dma_wait3A_83 = tpu.memref_squeeze %dma_wait3A_82 : memref<1x128x64xf32, #tpu.memory_space<vmem>> -> memref<128x64xf32, #tpu.memory_space<vmem>>
      %dma_wait3A_84 = tpu.memref_slice %arg5[%mul3A_31] : memref<6400xi32, #tpu.memory_space<vmem>> -> memref<128xi32, #tpu.memory_space<vmem>>
      %dma_wait3A_85 = arith.constant 0 : i32
      %dma_wait3A_86 = arith.constant 0 : i32
      %dma_wait3A_87 = tpu.memref_slice %arg3[%dma_wait3A_85, %dma_wait3A_86] : memref<1000000x64xf32, #tpu.memory_space<hbm>> -> memref<1000000x64xf32, #tpu.memory_space<hbm>>
      %dma_wait3A_88 = tpu.memref_slice %arg7[%dma_wait3A_79] : memref<2x!tpu.dma_semaphore, #tpu.memory_space<semaphore_mem>> -> memref<1x!tpu.dma_semaphore, #tpu.memory_space<semaphore_mem>>
      %dma_wait3A_89 = tpu.memref_squeeze %dma_wait3A_88 : memref<1x!tpu.dma_semaphore, #tpu.memory_space<semaphore_mem>> -> memref<!tpu.dma_semaphore, #tpu.memory_space<semaphore_mem>>
      tpu.wait_indirect_dma semaphore(%dma_wait3A_89 : memref<!tpu.dma_semaphore, #tpu.memory_space<semaphore_mem>>) src(%dma_wait3A_87 : memref<1000000x64xf32, #tpu.memory_space<hbm>>) dst(%dma_wait3A_83 : memref<128x64xf32, #tpu.memory_space<vmem>>)
      %mul3A_90 = arith.constant 2 : i32
      %mul3A_91 = arith.muli %scan3A_8, %mul3A_90 : i32
      %add3A_92 = arith.constant 1 : i32
      %add3A_93 = arith.addi %mul3A_91, %add3A_92 : i32
      %mul3A_94 = arith.constant 128 : i32
      %mul3A_95 = arith.muli %add3A_93, %mul3A_94 : i32
      %add3A_96 = arith.addi %mul3A_2, %mul3A_95 : i32
      %dma_start3A_97 = arith.constant 1 : i32
      %dma_start3A_98 = arith.constant 1 : i32
      %dma_start3A_99 = arith.constant 0 : i32
      %dma_start3A_100 = arith.constant 0 : i32
      %dma_start3A_101 = tpu.memref_slice %arg6[%dma_start3A_97, %dma_start3A_99, %dma_start3A_100] : memref<2x128x64xf32, #tpu.memory_space<vmem>> -> memref<1x128x64xf32, #tpu.memory_space<vmem>>
      %dma_start3A_102 = tpu.memref_squeeze %dma_start3A_101 : memref<1x128x64xf32, #tpu.memory_space<vmem>> -> memref<128x64xf32, #tpu.memory_space<vmem>>
      %dma_start3A_103 = arith.constant 0 : i32
      %dma_start3A_104 = tpu.memref_slice %arg4[%add3A_96, %dma_start3A_103] : memref<204800x64xf32, #tpu.memory_space<hbm>> -> memref<128x64xf32, #tpu.memory_space<hbm>>
      %dma_start3A_105 = tpu.memref_slice %arg8[%dma_start3A_98] : memref<2x!tpu.dma_semaphore, #tpu.memory_space<semaphore_mem>> -> memref<1x!tpu.dma_semaphore, #tpu.memory_space<semaphore_mem>>
      %dma_start3A_106 = tpu.memref_squeeze %dma_start3A_105 : memref<1x!tpu.dma_semaphore, #tpu.memory_space<semaphore_mem>> -> memref<!tpu.dma_semaphore, #tpu.memory_space<semaphore_mem>>
      %dma_start3A_107 = arith.constant 0 : i32
      %dma_start3A_108 = tpu.memref_slice %arg4[%add3A_96, %dma_start3A_107] : memref<204800x64xf32, #tpu.memory_space<hbm>> -> memref<128x64xf32, #tpu.memory_space<hbm>>
      %dma_start3A_109 = arith.constant 0 : i32
      %dma_start3A_110 = arith.constant 0 : i32
      %dma_start3A_111 = tpu.memref_slice %arg6[%dma_start3A_97, %dma_start3A_109, %dma_start3A_110] : memref<2x128x64xf32, #tpu.memory_space<vmem>> -> memref<1x128x64xf32, #tpu.memory_space<vmem>>
      %dma_start3A_112 = tpu.memref_squeeze %dma_start3A_111 : memref<1x128x64xf32, #tpu.memory_space<vmem>> -> memref<128x64xf32, #tpu.memory_space<vmem>>
      tpu.enqueue_dma source(%dma_start3A_112 : memref<128x64xf32, #tpu.memory_space<vmem>>) target(%dma_start3A_108 : memref<128x64xf32, #tpu.memory_space<hbm>>) target_semaphore(%dma_start3A_106 : memref<!tpu.dma_semaphore, #tpu.memory_space<semaphore_mem>>)
      %dma_wait3A_113 = arith.constant 0 : i32
      %dma_wait3A_114 = arith.constant 0 : i32
      %dma_wait3A_115 = arith.constant 0 : i32
      %dma_wait3A_116 = arith.constant 0 : i32
      %dma_wait3A_117 = tpu.memref_slice %arg6[%dma_wait3A_113, %dma_wait3A_115, %dma_wait3A_116] : memref<2x128x64xf32, #tpu.memory_space<vmem>> -> memref<1x128x64xf32, #tpu.memory_space<vmem>>
      %dma_wait3A_118 = tpu.memref_squeeze %dma_wait3A_117 : memref<1x128x64xf32, #tpu.memory_space<vmem>> -> memref<128x64xf32, #tpu.memory_space<vmem>>
      %dma_wait3A_119 = arith.constant 0 : i32
      %dma_wait3A_120 = tpu.memref_slice %arg4[%add3A_61, %dma_wait3A_119] : memref<204800x64xf32, #tpu.memory_space<hbm>> -> memref<128x64xf32, #tpu.memory_space<hbm>>
      %dma_wait3A_121 = tpu.memref_slice %arg8[%dma_wait3A_114] : memref<2x!tpu.dma_semaphore, #tpu.memory_space<semaphore_mem>> -> memref<1x!tpu.dma_semaphore, #tpu.memory_space<semaphore_mem>>
      %dma_wait3A_122 = tpu.memref_squeeze %dma_wait3A_121 : memref<1x!tpu.dma_semaphore, #tpu.memory_space<semaphore_mem>> -> memref<!tpu.dma_semaphore, #tpu.memory_space<semaphore_mem>>
      %dma_wait3A_123 = arith.constant 0 : i32
      %dma_wait3A_124 = tpu.memref_slice %arg4[%add3A_61, %dma_wait3A_123] : memref<204800x64xf32, #tpu.memory_space<hbm>> -> memref<128x64xf32, #tpu.memory_space<hbm>>
      %dma_wait3A_125 = arith.constant 0 : i32
      %dma_wait3A_126 = arith.constant 0 : i32
      %dma_wait3A_127 = tpu.memref_slice %arg6[%dma_wait3A_113, %dma_wait3A_125, %dma_wait3A_126] : memref<2x128x64xf32, #tpu.memory_space<vmem>> -> memref<1x128x64xf32, #tpu.memory_space<vmem>>
      %dma_wait3A_128 = tpu.memref_squeeze %dma_wait3A_127 : memref<1x128x64xf32, #tpu.memory_space<vmem>> -> memref<128x64xf32, #tpu.memory_space<vmem>>
      tpu.wait_dma2 semaphore(%dma_wait3A_122 : memref<!tpu.dma_semaphore, #tpu.memory_space<semaphore_mem>>) src(%dma_wait3A_128 : memref<128x64xf32, #tpu.memory_space<vmem>>) dst(%dma_wait3A_124 : memref<128x64xf32, #tpu.memory_space<hbm>>)
      %dma_wait3A_129 = arith.constant 1 : i32
      %dma_wait3A_130 = arith.constant 1 : i32
      %dma_wait3A_131 = arith.constant 0 : i32
      %dma_wait3A_132 = arith.constant 0 : i32
      %dma_wait3A_133 = tpu.memref_slice %arg6[%dma_wait3A_129, %dma_wait3A_131, %dma_wait3A_132] : memref<2x128x64xf32, #tpu.memory_space<vmem>> -> memref<1x128x64xf32, #tpu.memory_space<vmem>>
      %dma_wait3A_134 = tpu.memref_squeeze %dma_wait3A_133 : memref<1x128x64xf32, #tpu.memory_space<vmem>> -> memref<128x64xf32, #tpu.memory_space<vmem>>
      %dma_wait3A_135 = arith.constant 0 : i32
      %dma_wait3A_136 = tpu.memref_slice %arg4[%add3A_96, %dma_wait3A_135] : memref<204800x64xf32, #tpu.memory_space<hbm>> -> memref<128x64xf32, #tpu.memory_space<hbm>>
      %dma_wait3A_137 = tpu.memref_slice %arg8[%dma_wait3A_130] : memref<2x!tpu.dma_semaphore, #tpu.memory_space<semaphore_mem>> -> memref<1x!tpu.dma_semaphore, #tpu.memory_space<semaphore_mem>>
      %dma_wait3A_138 = tpu.memref_squeeze %dma_wait3A_137 : memref<1x!tpu.dma_semaphore, #tpu.memory_space<semaphore_mem>> -> memref<!tpu.dma_semaphore, #tpu.memory_space<semaphore_mem>>
      %dma_wait3A_139 = arith.constant 0 : i32
      %dma_wait3A_140 = tpu.memref_slice %arg4[%add3A_96, %dma_wait3A_139] : memref<204800x64xf32, #tpu.memory_space<hbm>> -> memref<128x64xf32, #tpu.memory_space<hbm>>
      %dma_wait3A_141 = arith.constant 0 : i32
      %dma_wait3A_142 = arith.constant 0 : i32
      %dma_wait3A_143 = tpu.memref_slice %arg6[%dma_wait3A_129, %dma_wait3A_141, %dma_wait3A_142] : memref<2x128x64xf32, #tpu.memory_space<vmem>> -> memref<1x128x64xf32, #tpu.memory_space<vmem>>
      %dma_wait3A_144 = tpu.memref_squeeze %dma_wait3A_143 : memref<1x128x64xf32, #tpu.memory_space<vmem>> -> memref<128x64xf32, #tpu.memory_space<vmem>>
      tpu.wait_dma2 semaphore(%dma_wait3A_138 : memref<!tpu.dma_semaphore, #tpu.memory_space<semaphore_mem>>) src(%dma_wait3A_144 : memref<128x64xf32, #tpu.memory_space<vmem>>) dst(%dma_wait3A_140 : memref<128x64xf32, #tpu.memory_space<hbm>>)
    }
    %scan3A_7 = arith.constant 25 : i32
    return
  }
}

module attributes {stable_mosaic.version = 14 : i64} {
  func.func @_prep_body(%arg0: i32, %arg1: memref<40x128xf32, #tpu.memory_space<vmem>>, %arg2: memref<1x128xf32, #tpu.memory_space<vmem>>, %arg3: memref<1x128xf32, #tpu.memory_space<vmem>>, %arg4: memref<100x128xf32, #tpu.memory_space<vmem>>, %arg5: memref<1x128xf32, #tpu.memory_space<vmem>>, %arg6: memref<1x128xf32, #tpu.memory_space<vmem>>, %arg7: memref<4000x128xf32, #tpu.memory_space<vmem>>, %arg8: memref<512x128xf32, #tpu.memory_space<vmem>>, %arg9: memref<1x128xf32, #tpu.memory_space<vmem>>, %arg10: memref<4000x128xf32, #tpu.memory_space<vmem>>, %arg11: memref<4000x128xf32, #tpu.memory_space<vmem>>) attributes {dimension_semantics = [#tpu.dimension_semantics<arbitrary>], iteration_bounds = array<i64: 25>, scalar_prefetch = 0 : i64, scratch_operands = 0 : i64, tpu.core_type = #tpu.core_type<tc>, window_params = [{transform_indices = @transform_0, window_bounds = array<i64: 40, 128>}, {pipeline_mode = #tpu.pipeline_mode<synchronous>, transform_indices = @transform_1, window_bounds = array<i64: 1, 128>}, {pipeline_mode = #tpu.pipeline_mode<synchronous>, transform_indices = @transform_2, window_bounds = array<i64: 1, 128>}, {pipeline_mode = #tpu.pipeline_mode<synchronous>, transform_indices = @transform_3, window_bounds = array<i64: 100, 128>}, {pipeline_mode = #tpu.pipeline_mode<synchronous>, transform_indices = @transform_4, window_bounds = array<i64: 1, 128>}, {pipeline_mode = #tpu.pipeline_mode<synchronous>, transform_indices = @transform_5, window_bounds = array<i64: 1, 128>}, {transform_indices = @transform_6, window_bounds = array<i64: 4000, 128>}, {pipeline_mode = #tpu.pipeline_mode<synchronous>, transform_indices = @transform_7, window_bounds = array<i64: 512, 128>}, {pipeline_mode = #tpu.pipeline_mode<synchronous>, transform_indices = @transform_8, window_bounds = array<i64: 1, 128>}, {transform_indices = @transform_9, window_bounds = array<i64: 4000, 128>}, {transform_indices = @transform_10, window_bounds = array<i64: 4000, 128>}]} {
    %get3A = arith.constant 0 : index
    %get3A_0 = arith.constant 0 : index
    %get3A_1 = vector.load %arg4[%get3A, %get3A_0] : memref<100x128xf32, #tpu.memory_space<vmem>>, vector<100x128xf32>
    %get3A_2 = arith.constant 0 : index
    %get3A_3 = arith.constant 0 : index
    %get3A_4 = vector.load %arg5[%get3A_2, %get3A_3] : memref<1x128xf32, #tpu.memory_space<vmem>>, vector<1x128xf32>
    %get3A_5 = arith.constant 0 : index
    %get3A_6 = arith.constant 0 : index
    %get3A_7 = vector.load %arg6[%get3A_5, %get3A_6] : memref<1x128xf32, #tpu.memory_space<vmem>>, vector<1x128xf32>
    %reduce_sum3A = arith.constant dense<0.000000e+00> : vector<100xf32>
    %reduce_sum3A_8 = vector.multi_reduction <add>, %get3A_1, %reduce_sum3A [1] : vector<100x128xf32> to vector<100xf32>
    %broadcast_in_dim3A = vector.shape_cast %reduce_sum3A_8 : vector<100xf32> to vector<100x1xf32>
    %div3A = arith.constant 1.280000e+02 : f32
    %div3A_9 = vector.broadcast %div3A : f32 to vector<100x1xf32>
    %div3A_10 = arith.divf %broadcast_in_dim3A, %div3A_9 : vector<100x1xf32>
    %sub3A = vector.broadcast %div3A_10 : vector<100x1xf32> to vector<100x128xf32>
    %sub3A_11 = arith.subf %get3A_1, %sub3A : vector<100x128xf32>
    %integer_pow3A = arith.mulf %sub3A_11, %sub3A_11 : vector<100x128xf32>
    %reduce_sum3A_12 = arith.constant dense<0.000000e+00> : vector<100xf32>
    %reduce_sum3A_13 = vector.multi_reduction <add>, %integer_pow3A, %reduce_sum3A_12 [1] : vector<100x128xf32> to vector<100xf32>
    %broadcast_in_dim3A_14 = vector.shape_cast %reduce_sum3A_13 : vector<100xf32> to vector<100x1xf32>
    %div3A_15 = arith.constant 1.280000e+02 : f32
    %div3A_16 = vector.broadcast %div3A_15 : f32 to vector<100x1xf32>
    %div3A_17 = arith.divf %broadcast_in_dim3A_14, %div3A_16 : vector<100x1xf32>
    %sub3A_18 = vector.broadcast %div3A_10 : vector<100x1xf32> to vector<100x128xf32>
    %sub3A_19 = arith.subf %get3A_1, %sub3A_18 : vector<100x128xf32>
    %add3A = arith.constant 9.99999974E-6 : f32
    %add3A_20 = vector.broadcast %add3A : f32 to vector<100x1xf32>
    %add3A_21 = arith.addf %div3A_17, %add3A_20 : vector<100x1xf32>
    %rsqrt3A = math.rsqrt %add3A_21 : vector<100x1xf32>
    %mul3A = vector.broadcast %rsqrt3A : vector<100x1xf32> to vector<100x128xf32>
    %mul3A_22 = arith.mulf %sub3A_19, %mul3A : vector<100x128xf32>
    %mul3A_23 = vector.broadcast %get3A_4 : vector<1x128xf32> to vector<100x128xf32>
    %mul3A_24 = arith.mulf %mul3A_22, %mul3A_23 : vector<100x128xf32>
    %add3A_25 = vector.broadcast %get3A_7 : vector<1x128xf32> to vector<100x128xf32>
    %add3A_26 = arith.addf %mul3A_24, %add3A_25 : vector<100x128xf32>
    %get3A_27 = arith.constant 256 : index
    %get3A_28 = arith.constant 0 : index
    %get3A_29 = vector.load %arg8[%get3A_27, %get3A_28] : memref<512x128xf32, #tpu.memory_space<vmem>>, vector<128x128xf32>
    %dot_general3A = arith.constant dense<0.000000e+00> : vector<100x128xf32>
    %dot_general3A_30 = tpu.matmul %add3A_26, %get3A_29, %dot_general3A {dimension_numbers = #tpu.dot_dimension_numbers<[1], [0], [0], [1], [0, 0, 1, 1], [], []>, transpose_lhs_hint = false} : vector<100x128xf32>, vector<128x128xf32>, vector<100x128xf32> -> vector<100x128xf32>
    %get3A_31 = arith.constant 0 : index
    %get3A_32 = arith.constant 0 : index
    %get3A_33 = vector.load %arg1[%get3A_31, %get3A_32] : memref<40x128xf32, #tpu.memory_space<vmem>>, vector<40x128xf32>
    %get3A_34 = arith.constant 0 : index
    %get3A_35 = arith.constant 0 : index
    %get3A_36 = vector.load %arg2[%get3A_34, %get3A_35] : memref<1x128xf32, #tpu.memory_space<vmem>>, vector<1x128xf32>
    %get3A_37 = arith.constant 0 : index
    %get3A_38 = arith.constant 0 : index
    %get3A_39 = vector.load %arg3[%get3A_37, %get3A_38] : memref<1x128xf32, #tpu.memory_space<vmem>>, vector<1x128xf32>
    %reduce_sum3A_40 = arith.constant dense<0.000000e+00> : vector<40xf32>
    %reduce_sum3A_41 = vector.multi_reduction <add>, %get3A_33, %reduce_sum3A_40 [1] : vector<40x128xf32> to vector<40xf32>
    %broadcast_in_dim3A_42 = vector.shape_cast %reduce_sum3A_41 : vector<40xf32> to vector<40x1xf32>
    %div3A_43 = arith.constant 1.280000e+02 : f32
    %div3A_44 = vector.broadcast %div3A_43 : f32 to vector<40x1xf32>
    %div3A_45 = arith.divf %broadcast_in_dim3A_42, %div3A_44 : vector<40x1xf32>
    %sub3A_46 = vector.broadcast %div3A_45 : vector<40x1xf32> to vector<40x128xf32>
    %sub3A_47 = arith.subf %get3A_33, %sub3A_46 : vector<40x128xf32>
    %integer_pow3A_48 = arith.mulf %sub3A_47, %sub3A_47 : vector<40x128xf32>
    %reduce_sum3A_49 = arith.constant dense<0.000000e+00> : vector<40xf32>
    %reduce_sum3A_50 = vector.multi_reduction <add>, %integer_pow3A_48, %reduce_sum3A_49 [1] : vector<40x128xf32> to vector<40xf32>
    %broadcast_in_dim3A_51 = vector.shape_cast %reduce_sum3A_50 : vector<40xf32> to vector<40x1xf32>
    %div3A_52 = arith.constant 1.280000e+02 : f32
    %div3A_53 = vector.broadcast %div3A_52 : f32 to vector<40x1xf32>
    %div3A_54 = arith.divf %broadcast_in_dim3A_51, %div3A_53 : vector<40x1xf32>
    %sub3A_55 = vector.broadcast %div3A_45 : vector<40x1xf32> to vector<40x128xf32>
    %sub3A_56 = arith.subf %get3A_33, %sub3A_55 : vector<40x128xf32>
    %add3A_57 = arith.constant 9.99999974E-6 : f32
    %add3A_58 = vector.broadcast %add3A_57 : f32 to vector<40x1xf32>
    %add3A_59 = arith.addf %div3A_54, %add3A_58 : vector<40x1xf32>
    %rsqrt3A_60 = math.rsqrt %add3A_59 : vector<40x1xf32>
    %mul3A_61 = vector.broadcast %rsqrt3A_60 : vector<40x1xf32> to vector<40x128xf32>
    %mul3A_62 = arith.mulf %sub3A_56, %mul3A_61 : vector<40x128xf32>
    %mul3A_63 = vector.broadcast %get3A_36 : vector<1x128xf32> to vector<40x128xf32>
    %mul3A_64 = arith.mulf %mul3A_62, %mul3A_63 : vector<40x128xf32>
    %add3A_65 = vector.broadcast %get3A_39 : vector<1x128xf32> to vector<40x128xf32>
    %add3A_66 = arith.addf %mul3A_64, %add3A_65 : vector<40x128xf32>
    %get3A_67 = arith.constant 128 : index
    %get3A_68 = arith.constant 0 : index
    %get3A_69 = vector.load %arg8[%get3A_67, %get3A_68] : memref<512x128xf32, #tpu.memory_space<vmem>>, vector<128x128xf32>
    %dot_general3A_70 = arith.constant dense<0.000000e+00> : vector<40x128xf32>
    %dot_general3A_71 = tpu.matmul %add3A_66, %get3A_69, %dot_general3A_70 {dimension_numbers = #tpu.dot_dimension_numbers<[1], [0], [0], [1], [0, 0, 1, 1], [], []>, transpose_lhs_hint = false} : vector<40x128xf32>, vector<128x128xf32>, vector<40x128xf32> -> vector<40x128xf32>
    %get3A_72 = arith.constant 0 : index
    %get3A_73 = arith.constant 0 : index
    %get3A_74 = vector.load %arg9[%get3A_72, %get3A_73] : memref<1x128xf32, #tpu.memory_space<vmem>>, vector<1x128xf32>
    %add3A_75 = vector.broadcast %get3A_74 : vector<1x128xf32> to vector<40x128xf32>
    %add3A_76 = arith.addf %dot_general3A_71, %add3A_75 : vector<40x128xf32>
    %broadcast_in_dim3A_77 = vector.shape_cast %add3A_76 : vector<40x128xf32> to vector<40x1x128xf32>
    %broadcast_in_dim3A_78 = vector.shape_cast %dot_general3A_30 : vector<100x128xf32> to vector<1x100x128xf32>
    %add3A_79 = vector.broadcast %broadcast_in_dim3A_77 : vector<40x1x128xf32> to vector<40x100x128xf32>
    %add3A_80 = vector.broadcast %broadcast_in_dim3A_78 : vector<1x100x128xf32> to vector<40x100x128xf32>
    %add3A_81 = arith.addf %add3A_79, %add3A_80 : vector<40x100x128xf32>
    %reshape3A = vector.shape_cast %add3A_81 : vector<40x100x128xf32> to vector<4000x128xf32>
    %swap3A = arith.constant 0 : index
    %swap3A_82 = arith.constant 0 : index
    %swap3A_83 = vector.load %arg10[%swap3A, %swap3A_82] : memref<4000x128xf32, #tpu.memory_space<vmem>>, vector<4000x128xf32>
    tpu.vector_store %arg10[%swap3A, %swap3A_82], %reshape3A {strides = array<i32>} : memref<4000x128xf32, #tpu.memory_space<vmem>>, vector<4000x128xf32>,
    %get3A_84 = arith.constant 0 : index
    %get3A_85 = arith.constant 0 : index
    %get3A_86 = vector.load %arg7[%get3A_84, %get3A_85] : memref<4000x128xf32, #tpu.memory_space<vmem>>, vector<4000x128xf32>
    %get3A_87 = arith.constant 384 : index
    %get3A_88 = arith.constant 0 : index
    %get3A_89 = vector.load %arg8[%get3A_87, %get3A_88] : memref<512x128xf32, #tpu.memory_space<vmem>>, vector<128x128xf32>
    %dot_general3A_90 = arith.constant dense<0.000000e+00> : vector<4000x128xf32>
    %dot_general3A_91 = tpu.matmul %get3A_86, %get3A_89, %dot_general3A_90 {dimension_numbers = #tpu.dot_dimension_numbers<[1], [0], [0], [1], [0, 0, 1, 1], [], []>, transpose_lhs_hint = false} : vector<4000x128xf32>, vector<128x128xf32>, vector<4000x128xf32> -> vector<4000x128xf32>
    %swap3A_92 = arith.constant 0 : index
    %swap3A_93 = arith.constant 0 : index
    %swap3A_94 = vector.load %arg11[%swap3A_92, %swap3A_93] : memref<4000x128xf32, #tpu.memory_space<vmem>>, vector<4000x128xf32>
    tpu.vector_store %arg11[%swap3A_92, %swap3A_93], %dot_general3A_91 {strides = array<i32>} : memref<4000x128xf32, #tpu.memory_space<vmem>>, vector<4000x128xf32>,
    return
  }
  func.func @transform_0(%arg0: i32) -> (i32, i32) {
    %c0_i32 = arith.constant 0 : i32
    %c0_i32_0 = arith.constant 0 : i32
    return %arg0, %c0_i32 : i32, i32
  }
  func.func @transform_1(%arg0: i32) -> (i32, i32) {
    %c0_i32 = arith.constant 0 : i32
    %c0_i32_0 = arith.constant 0 : i32
    %c0_i32_1 = arith.constant 0 : i32
    return %c0_i32, %c0_i32_0 : i32, i32
  }
  func.func @transform_2(%arg0: i32) -> (i32, i32) {
    %c0_i32 = arith.constant 0 : i32
    %c0_i32_0 = arith.constant 0 : i32
    %c0_i32_1 = arith.constant 0 : i32
    return %c0_i32, %c0_i32_0 : i32, i32
  }
  func.func @transform_3(%arg0: i32) -> (i32, i32) {
    %c0_i32 = arith.constant 0 : i32
    %c0_i32_0 = arith.constant 0 : i32
    %c0_i32_1 = arith.constant 0 : i32
    return %c0_i32, %c0_i32_0 : i32, i32
  }
  func.func @transform_4(%arg0: i32) -> (i32, i32) {
    %c0_i32 = arith.constant 0 : i32
    %c0_i32_0 = arith.constant 0 : i32
    %c0_i32_1 = arith.constant 0 : i32
    return %c0_i32, %c0_i32_0 : i32, i32
  }
  func.func @transform_5(%arg0: i32) -> (i32, i32) {
    %c0_i32 = arith.constant 0 : i32
    %c0_i32_0 = arith.constant 0 : i32
    %c0_i32_1 = arith.constant 0 : i32
    return %c0_i32, %c0_i32_0 : i32, i32
  }
  func.func @transform_6(%arg0: i32) -> (i32, i32) {
    %c0_i32 = arith.constant 0 : i32
    %c0_i32_0 = arith.constant 0 : i32
    return %arg0, %c0_i32 : i32, i32
  }
  func.func @transform_7(%arg0: i32) -> (i32, i32) {
    %c0_i32 = arith.constant 0 : i32
    %c0_i32_0 = arith.constant 0 : i32
    %c0_i32_1 = arith.constant 0 : i32
    return %c0_i32, %c0_i32_0 : i32, i32
  }
  func.func @transform_8(%arg0: i32) -> (i32, i32) {
    %c0_i32 = arith.constant 0 : i32
    %c0_i32_0 = arith.constant 0 : i32
    %c0_i32_1 = arith.constant 0 : i32
    return %c0_i32, %c0_i32_0 : i32, i32
  }
  func.func @transform_9(%arg0: i32) -> (i32, i32) {
    %c0_i32 = arith.constant 0 : i32
    %c0_i32_0 = arith.constant 0 : i32
    return %arg0, %c0_i32 : i32, i32
  }
  func.func @transform_10(%arg0: i32) -> (i32, i32) {
    %c0_i32 = arith.constant 0 : i32
    %c0_i32_0 = arith.constant 0 : i32
    return %arg0, %c0_i32 : i32, i32
  }
}

module attributes {stable_mosaic.version = 14 : i64} {
  func.func @_combine_body(%arg0: i32, %arg1: memref<1600x64xf32, #tpu.memory_space<vmem>>, %arg2: memref<1600x128xf32, #tpu.memory_space<vmem>>, %arg3: memref<1600x128xf32, #tpu.memory_space<vmem>>, %arg4: memref<1x64xf32, #tpu.memory_space<vmem>>, %arg5: memref<1x64xf32, #tpu.memory_space<vmem>>, %arg6: memref<64x128xf32, #tpu.memory_space<vmem>>, %arg7: memref<1x128xf32, #tpu.memory_space<vmem>>, %arg8: memref<1x128xf32, #tpu.memory_space<vmem>>, %arg9: memref<1x128xf32, #tpu.memory_space<vmem>>, %arg10: memref<128x128xf32, #tpu.memory_space<vmem>>, %arg11: memref<32x50x128xf32, #tpu.memory_space<vmem>>) attributes {dimension_semantics = [#tpu.dimension_semantics<arbitrary>], iteration_bounds = array<i64: 128>, scalar_prefetch = 0 : i64, scratch_operands = 0 : i64, tpu.core_type = #tpu.core_type<tc>, window_params = [{transform_indices = @transform_0, window_bounds = array<i64: 1600, 64>}, {transform_indices = @transform_1, window_bounds = array<i64: 1600, 128>}, {transform_indices = @transform_2, window_bounds = array<i64: 1600, 128>}, {pipeline_mode = #tpu.pipeline_mode<synchronous>, transform_indices = @transform_3, window_bounds = array<i64: 1, 64>}, {pipeline_mode = #tpu.pipeline_mode<synchronous>, transform_indices = @transform_4, window_bounds = array<i64: 1, 64>}, {pipeline_mode = #tpu.pipeline_mode<synchronous>, transform_indices = @transform_5, window_bounds = array<i64: 64, 128>}, {pipeline_mode = #tpu.pipeline_mode<synchronous>, transform_indices = @transform_6, window_bounds = array<i64: 1, 128>}, {pipeline_mode = #tpu.pipeline_mode<synchronous>, transform_indices = @transform_7, window_bounds = array<i64: 1, 128>}, {pipeline_mode = #tpu.pipeline_mode<synchronous>, transform_indices = @transform_8, window_bounds = array<i64: 1, 128>}, {pipeline_mode = #tpu.pipeline_mode<synchronous>, transform_indices = @transform_9, window_bounds = array<i64: 128, 128>}, {transform_indices = @transform_10, window_bounds = array<i64: 32, 50, 128>}]} {
    %get3A = arith.constant 0 : index
    %get3A_0 = arith.constant 0 : index
    %get3A_1 = vector.load %arg1[%get3A, %get3A_0] : memref<1600x64xf32, #tpu.memory_space<vmem>>, vector<1600x64xf32>
    %get3A_2 = arith.constant 0 : index
    %get3A_3 = arith.constant 0 : index
    %get3A_4 = vector.load %arg4[%get3A_2, %get3A_3] : memref<1x64xf32, #tpu.memory_space<vmem>>, vector<1x64xf32>
    %get3A_5 = arith.constant 0 : index
    %get3A_6 = arith.constant 0 : index
    %get3A_7 = vector.load %arg5[%get3A_5, %get3A_6] : memref<1x64xf32, #tpu.memory_space<vmem>>, vector<1x64xf32>
    %get3A_8 = arith.constant 0 : index
    %get3A_9 = arith.constant 0 : index
    %get3A_10 = vector.load %arg6[%get3A_8, %get3A_9] : memref<64x128xf32, #tpu.memory_space<vmem>>, vector<64x128xf32>
    %get3A_11 = arith.constant 0 : index
    %get3A_12 = arith.constant 0 : index
    %get3A_13 = vector.load %arg7[%get3A_11, %get3A_12] : memref<1x128xf32, #tpu.memory_space<vmem>>, vector<1x128xf32>
    %get3A_14 = arith.constant 0 : index
    %get3A_15 = arith.constant 0 : index
    %get3A_16 = vector.load %arg8[%get3A_14, %get3A_15] : memref<1x128xf32, #tpu.memory_space<vmem>>, vector<1x128xf32>
    %get3A_17 = arith.constant 0 : index
    %get3A_18 = arith.constant 0 : index
    %get3A_19 = vector.load %arg9[%get3A_17, %get3A_18] : memref<1x128xf32, #tpu.memory_space<vmem>>, vector<1x128xf32>
    %get3A_20 = arith.constant 0 : index
    %get3A_21 = arith.constant 0 : index
    %get3A_22 = vector.load %arg10[%get3A_20, %get3A_21] : memref<128x128xf32, #tpu.memory_space<vmem>>, vector<128x128xf32>
    %reduce_sum3A = arith.constant dense<0.000000e+00> : vector<1600xf32>
    %reduce_sum3A_23 = vector.multi_reduction <add>, %get3A_1, %reduce_sum3A [1] : vector<1600x64xf32> to vector<1600xf32>
    %broadcast_in_dim3A = vector.shape_cast %reduce_sum3A_23 : vector<1600xf32> to vector<1600x1xf32>
    %div3A = arith.constant 6.400000e+01 : f32
    %div3A_24 = vector.broadcast %div3A : f32 to vector<1600x1xf32>
    %div3A_25 = arith.divf %broadcast_in_dim3A, %div3A_24 : vector<1600x1xf32>
    %sub3A = vector.broadcast %div3A_25 : vector<1600x1xf32> to vector<1600x64xf32>
    %sub3A_26 = arith.subf %get3A_1, %sub3A : vector<1600x64xf32>
    %integer_pow3A = arith.mulf %sub3A_26, %sub3A_26 : vector<1600x64xf32>
    %reduce_sum3A_27 = arith.constant dense<0.000000e+00> : vector<1600xf32>
    %reduce_sum3A_28 = vector.multi_reduction <add>, %integer_pow3A, %reduce_sum3A_27 [1] : vector<1600x64xf32> to vector<1600xf32>
    %broadcast_in_dim3A_29 = vector.shape_cast %reduce_sum3A_28 : vector<1600xf32> to vector<1600x1xf32>
    %div3A_30 = arith.constant 6.400000e+01 : f32
    %div3A_31 = vector.broadcast %div3A_30 : f32 to vector<1600x1xf32>
    %div3A_32 = arith.divf %broadcast_in_dim3A_29, %div3A_31 : vector<1600x1xf32>
    %sub3A_33 = vector.broadcast %div3A_25 : vector<1600x1xf32> to vector<1600x64xf32>
    %sub3A_34 = arith.subf %get3A_1, %sub3A_33 : vector<1600x64xf32>
    %add3A = arith.constant 9.99999974E-6 : f32
    %add3A_35 = vector.broadcast %add3A : f32 to vector<1600x1xf32>
    %add3A_36 = arith.addf %div3A_32, %add3A_35 : vector<1600x1xf32>
    %rsqrt3A = math.rsqrt %add3A_36 : vector<1600x1xf32>
    %mul3A = vector.broadcast %rsqrt3A : vector<1600x1xf32> to vector<1600x64xf32>
    %mul3A_37 = arith.mulf %sub3A_34, %mul3A : vector<1600x64xf32>
    %mul3A_38 = vector.broadcast %get3A_4 : vector<1x64xf32> to vector<1600x64xf32>
    %mul3A_39 = arith.mulf %mul3A_37, %mul3A_38 : vector<1600x64xf32>
    %add3A_40 = vector.broadcast %get3A_7 : vector<1x64xf32> to vector<1600x64xf32>
    %add3A_41 = arith.addf %mul3A_39, %add3A_40 : vector<1600x64xf32>
    %dot_general3A = arith.constant dense<0.000000e+00> : vector<1600x128xf32>
    %dot_general3A_42 = tpu.matmul %add3A_41, %get3A_10, %dot_general3A {dimension_numbers = #tpu.dot_dimension_numbers<[1], [0], [0], [1], [0, 0, 1, 1], [], []>, transpose_lhs_hint = false} : vector<1600x64xf32>, vector<64x128xf32>, vector<1600x128xf32> -> vector<1600x128xf32>
    %add3A_43 = vector.broadcast %get3A_13 : vector<1x128xf32> to vector<1600x128xf32>
    %add3A_44 = arith.addf %dot_general3A_42, %add3A_43 : vector<1600x128xf32>
    %reduce_sum3A_45 = arith.constant dense<0.000000e+00> : vector<1600xf32>
    %reduce_sum3A_46 = vector.multi_reduction <add>, %add3A_44, %reduce_sum3A_45 [1] : vector<1600x128xf32> to vector<1600xf32>
    %broadcast_in_dim3A_47 = vector.shape_cast %reduce_sum3A_46 : vector<1600xf32> to vector<1600x1xf32>
    %div3A_48 = arith.constant 1.280000e+02 : f32
    %div3A_49 = vector.broadcast %div3A_48 : f32 to vector<1600x1xf32>
    %div3A_50 = arith.divf %broadcast_in_dim3A_47, %div3A_49 : vector<1600x1xf32>
    %sub3A_51 = vector.broadcast %div3A_50 : vector<1600x1xf32> to vector<1600x128xf32>
    %sub3A_52 = arith.subf %add3A_44, %sub3A_51 : vector<1600x128xf32>
    %integer_pow3A_53 = arith.mulf %sub3A_52, %sub3A_52 : vector<1600x128xf32>
    %reduce_sum3A_54 = arith.constant dense<0.000000e+00> : vector<1600xf32>
    %reduce_sum3A_55 = vector.multi_reduction <add>, %integer_pow3A_53, %reduce_sum3A_54 [1] : vector<1600x128xf32> to vector<1600xf32>
    %broadcast_in_dim3A_56 = vector.shape_cast %reduce_sum3A_55 : vector<1600xf32> to vector<1600x1xf32>
    %div3A_57 = arith.constant 1.280000e+02 : f32
    %div3A_58 = vector.broadcast %div3A_57 : f32 to vector<1600x1xf32>
    %div3A_59 = arith.divf %broadcast_in_dim3A_56, %div3A_58 : vector<1600x1xf32>
    %sub3A_60 = vector.broadcast %div3A_50 : vector<1600x1xf32> to vector<1600x128xf32>
    %sub3A_61 = arith.subf %add3A_44, %sub3A_60 : vector<1600x128xf32>
    %add3A_62 = arith.constant 9.99999974E-6 : f32
    %add3A_63 = vector.broadcast %add3A_62 : f32 to vector<1600x1xf32>
    %add3A_64 = arith.addf %div3A_59, %add3A_63 : vector<1600x1xf32>
    %rsqrt3A_65 = math.rsqrt %add3A_64 : vector<1600x1xf32>
    %mul3A_66 = vector.broadcast %rsqrt3A_65 : vector<1600x1xf32> to vector<1600x128xf32>
    %mul3A_67 = arith.mulf %sub3A_61, %mul3A_66 : vector<1600x128xf32>
    %mul3A_68 = vector.broadcast %get3A_16 : vector<1x128xf32> to vector<1600x128xf32>
    %mul3A_69 = arith.mulf %mul3A_67, %mul3A_68 : vector<1600x128xf32>
    %add3A_70 = vector.broadcast %get3A_19 : vector<1x128xf32> to vector<1600x128xf32>
    %add3A_71 = arith.addf %mul3A_69, %add3A_70 : vector<1600x128xf32>
    %max3A = arith.constant 0.000000e+00 : f32
    %max3A_72 = vector.broadcast %max3A : f32 to vector<1600x128xf32>
    %max3A_73 = arith.maximumf %add3A_71, %max3A_72 : vector<1600x128xf32>
    %dot_general3A_74 = arith.constant dense<0.000000e+00> : vector<1600x128xf32>
    %dot_general3A_75 = tpu.matmul %max3A_73, %get3A_22, %dot_general3A_74 {dimension_numbers = #tpu.dot_dimension_numbers<[1], [0], [0], [1], [0, 0, 1, 1], [], []>, transpose_lhs_hint = false} : vector<1600x128xf32>, vector<128x128xf32>, vector<1600x128xf32> -> vector<1600x128xf32>
    %get3A_76 = arith.constant 0 : index
    %get3A_77 = arith.constant 0 : index
    %get3A_78 = vector.load %arg2[%get3A_76, %get3A_77] : memref<1600x128xf32, #tpu.memory_space<vmem>>, vector<1600x128xf32>
    %add3A_79 = arith.addf %dot_general3A_75, %get3A_78 : vector<1600x128xf32>
    %get3A_80 = arith.constant 0 : index
    %get3A_81 = arith.constant 0 : index
    %get3A_82 = vector.load %arg3[%get3A_80, %get3A_81] : memref<1600x128xf32, #tpu.memory_space<vmem>>, vector<1600x128xf32>
    %add3A_83 = arith.addf %add3A_79, %get3A_82 : vector<1600x128xf32>
    %max3A_84 = arith.constant 0.000000e+00 : f32
    %max3A_85 = vector.broadcast %max3A_84 : f32 to vector<1600x128xf32>
    %max3A_86 = arith.maximumf %add3A_83, %max3A_85 : vector<1600x128xf32>
    %reshape3A = vector.shape_cast %max3A_86 : vector<1600x128xf32> to vector<32x50x128xf32>
    %swap3A = arith.constant 0 : index
    %swap3A_87 = arith.constant 0 : index
    %swap3A_88 = arith.constant 0 : index
    %swap3A_89 = vector.load %arg11[%swap3A, %swap3A_87, %swap3A_88] : memref<32x50x128xf32, #tpu.memory_space<vmem>>, vector<32x50x128xf32>
    tpu.vector_store %arg11[%swap3A, %swap3A_87, %swap3A_88], %reshape3A {strides = array<i32>} : memref<32x50x128xf32, #tpu.memory_space<vmem>>, vector<32x50x128xf32>,
    return
  }
  func.func @transform_0(%arg0: i32) -> (i32, i32) {
    %c0_i32 = arith.constant 0 : i32
    %c0_i32_0 = arith.constant 0 : i32
    return %arg0, %c0_i32 : i32, i32
  }
  func.func @transform_1(%arg0: i32) -> (i32, i32) {
    %c0_i32 = arith.constant 0 : i32
    %c0_i32_0 = arith.constant 0 : i32
    return %arg0, %c0_i32 : i32, i32
  }
  func.func @transform_2(%arg0: i32) -> (i32, i32) {
    %c0_i32 = arith.constant 0 : i32
    %c0_i32_0 = arith.constant 0 : i32
    return %arg0, %c0_i32 : i32, i32
  }
  func.func @transform_3(%arg0: i32) -> (i32, i32) {
    %c0_i32 = arith.constant 0 : i32
    %c0_i32_0 = arith.constant 0 : i32
    %c0_i32_1 = arith.constant 0 : i32
    return %c0_i32, %c0_i32_0 : i32, i32
  }
  func.func @transform_4(%arg0: i32) -> (i32, i32) {
    %c0_i32 = arith.constant 0 : i32
    %c0_i32_0 = arith.constant 0 : i32
    %c0_i32_1 = arith.constant 0 : i32
    return %c0_i32, %c0_i32_0 : i32, i32
  }
  func.func @transform_5(%arg0: i32) -> (i32, i32) {
    %c0_i32 = arith.constant 0 : i32
    %c0_i32_0 = arith.constant 0 : i32
    %c0_i32_1 = arith.constant 0 : i32
    return %c0_i32, %c0_i32_0 : i32, i32
  }
  func.func @transform_6(%arg0: i32) -> (i32, i32) {
    %c0_i32 = arith.constant 0 : i32
    %c0_i32_0 = arith.constant 0 : i32
    %c0_i32_1 = arith.constant 0 : i32
    return %c0_i32, %c0_i32_0 : i32, i32
  }
  func.func @transform_7(%arg0: i32) -> (i32, i32) {
    %c0_i32 = arith.constant 0 : i32
    %c0_i32_0 = arith.constant 0 : i32
    %c0_i32_1 = arith.constant 0 : i32
    return %c0_i32, %c0_i32_0 : i32, i32
  }
  func.func @transform_8(%arg0: i32) -> (i32, i32) {
    %c0_i32 = arith.constant 0 : i32
    %c0_i32_0 = arith.constant 0 : i32
    %c0_i32_1 = arith.constant 0 : i32
    return %c0_i32, %c0_i32_0 : i32, i32
  }
  func.func @transform_9(%arg0: i32) -> (i32, i32) {
    %c0_i32 = arith.constant 0 : i32
    %c0_i32_0 = arith.constant 0 : i32
    %c0_i32_1 = arith.constant 0 : i32
    return %c0_i32, %c0_i32_0 : i32, i32
  }
  func.func @transform_10(%arg0: i32) -> (i32, i32, i32) {
    %c0_i32 = arith.constant 0 : i32
    %c0_i32_0 = arith.constant 0 : i32
    %c0_i32_1 = arith.constant 0 : i32
    return %arg0, %c0_i32, %c0_i32_0 : i32, i32, i32
  }
}

</mosaic_0001>

<sc_bundles>
// kernel: kernel.6.cloned.1.call-start
scs
__scs_entry_jumppad:
0x0: {  	(pc) =	sbr.rel $0x88, $3  }
0x1: {  	(tag) =	ssettag $0x0;
	lr =	simm.s32 $0x1  }
0x2: {  	[smem:$0x3F8D] =	sst lr;
	_ =	strace $0xD0000000  }
0x3: {  	_ = 	snop  }
0x4: {  	_ = 	snop  }
0x5: {  	_ = 	snop  }
0x6: {  	_ = 	snop  }
0x7: {  	_ = 	snop  }
__scs_overlays_trampoline_lowered:
0x8: {  	[smem:$0x3F9C] =	sst s0  }
0x9: {  	[smem:$0x3F9D] =	sst s1  }
0xa: {  	[smem:$0x3F9E] =	sst s2  }
0xb: {  	[smem:$0x3F9F] =	sst s3  }
0xc: {  	[smem:$0x3FA0] =	sst s4  }
0xd: {  	[smem:$0x3FA1] =	sst s5  }
0xe: {  	[smem:$0x3FA2] =	sst s6  }
0xf: {  	[smem:$0x3FA3] =	sst s7  }
0x10: {  	[smem:$0x3FA4] =	sst s8  }
0x11: {  	[smem:$0x3FA5] =	sst s9;
	s0 =	simm.s32 @!p0 $0x0  }
0x12: {  	s1 =	sld [smem:$0x3F8B];
	s0 =	simm.s32 @p0 $0x1  }
0x13: {  	[smem:$0x3FA6] =	sst s0;
	s0 =	simm.s32 @!p1 $0x0  }
0x14: {  	s2 =	sld [smem:$0x3F8A];
	s0 =	simm.s32 @p1 $0x1  }
0x15: {  	[smem:$0x3FA7] =	sst s0;
	s0 =	simm.s32 @!p2 $0x0  }
0x16: {  	s3 =	sld [smem:$0x3FDB];
	s0 =	simm.s32 @p2 $0x1  }
0x17: {  	s4 =	simm.s32 $0x1BF5;
	[smem:$0x3FA9] =	sst s0  }
0x18: {  	s0 =	sld [smem:$0x3F8C];
	_ =	swait.ge [sflag:s4], $0x0  }
0x19: {  	s7 =	sld [smem:$0x3F8D]  }
0x1a: {  	s8 =	sadd.s32 $0xFFFFE003, lr  }
0x1b: {  	s9 =	sadd.s32 $0xFFFFFEF7, lr;
	s5 =	simm.s32 $0xFFFFFFFF;
	p2 =	slt.u32 s8, $0xFFFFF086  }
0x1c: {  	p1 =	slt.u32 s9, $0xF7A;
	s5 =	simm.s32 @!p2 $0x0  }
0x1d: {  	s5 =	simm.s32 @p1 $0x1;
	p0 =	seq.s32 s7, s2  }
0x1e: {  	s7 =	smul.u32 @!p0 $0xF7A, s2;
	p2 =	seq.s32 @!p0 s5, $0x0  }
0x1f: {  	s9 =	smul.u32 $0xF7A, s1;
	s8 =	simm.s32 @!p0 $0x1BF5;
	p2 =	por !p2, p0  }
0x20: {  	[sflag:s8] =	ssyncset.s32 @!p0 $0xFFFFF086;
	s6 =	sadd.s32 @!p0 s3, s7;
	s7 =	simm.s32 @!p0 $0x108  }
0x21: {  	s3 =	sadd.s32 s3, s9;
	s6 =	sadd.s32 @!p0 $0x88, s6;
	s7 =	simm.s32 @p2 $0x1082  }
0x22: {  	[simem:s7], [sflag:s8] =	dma.local @!p0 [hbm:s6], $0xF7A  }
0x23: {  	s9 =	sor.u32 $0xD0000000, s2;
	s6 =	simm.s32 $0x108;
	_ =	swait.ge @!p0 [sflag:s8], $0x0  }
0x24: {  	s3 =	sadd.s32 $0x88, s3;
	s6 =	simm.s32 @!p1 $0x1082;
	[sflag:s4] =	ssyncset.s32 $0xFFFFF086  }
0x25: {  	[simem:s6], [sflag:s4] =	dma.local [hbm:s3], $0xF7A  }
0x26: {  	[smem:$0x3F8D] =	sst s1;
	(tag) =	ssettag s2;
	_ =	strace s9  }
0x27: {  	s1 =	sld [smem:$0x3F9D]  }
0x28: {  	s2 =	sld [smem:$0x3F9E]  }
0x29: {  	s4 =	sld [smem:$0x3FA0]  }
0x2a: {  	p0 =	seq.s32 s5, $0x0;
	s5 =	sld [smem:$0x3FA1]  }
0x2b: {  	s6 =	sld [smem:$0x3FA2]  }
0x2c: {  	s7 =	sld [smem:$0x3FA3]  }
0x2d: {  	s3 =	simm.s32 $0x108;
	s8 =	sld [smem:$0x3FA4]  }
0x2e: {  	s3 =	simm.s32 @!p0 $0x1082;
	s9 =	sld [smem:$0x3FA5]  }
0x2f: {  	lr =	sadd.s32 s0, s3;
	s0 =	sld [smem:$0x3F9C]  }
0x30: {  	s3 =	sld [smem:$0x3F9F]  }
0x31: {  	[smem:$0x3FA8] =	sst s10  }
0x32: {  	s10 =	sld [smem:$0x3FA6];
	_ =	sdelay $0x3  }
0x33: {  	p0 =	seq.s32 s10, $0x1;
	s10 =	sld [smem:$0x3FA8];
	_ =	sdelay $0x3  }
0x34: {  	[smem:$0x3FA8] =	sst s10  }
0x35: {  	s10 =	sld [smem:$0x3FA7];
	_ =	sdelay $0x3  }
0x36: {  	p1 =	seq.s32 s10, $0x1;
	s10 =	sld [smem:$0x3FA8];
	_ =	sdelay $0x3  }
0x37: {  	[smem:$0x3FA8] =	sst s10  }
0x38: {  	s10 =	sld [smem:$0x3FA9]  }
0x39: {  	_ = 	snop;
	(pc) =	sbr.ind lr, $3  }
0x3a: {  	_ = 	snop  }
0x3b: {  	_ = 	snop  }
0x3c: {  	p2 =	seq.s32 s10, $0x1;
	s10 =	sld [smem:$0x3FA8]  }
0x3d: {  	_ =	shalt  }
0x3e: {  	_ =	shalt  }
0x3f: {  	_ =	shalt  }
0x40: {  	_ =	shalt  }
0x41: {  	_ =	shalt  }
0x42: {  	_ =	shalt  }
0x43: {  	_ =	shalt  }
0x44: {  	_ =	shalt  }
0x45: {  	_ =	shalt  }
0x46: {  	_ =	shalt  }
0x47: {  	_ =	shalt  }
0x48: {  	_ =	shalt  }
0x49: {  	_ =	shalt  }
0x4a: {  	_ =	shalt  }
0x4b: {  	_ =	shalt  }
0x4c: {  	_ =	shalt  }
0x4d: {  	_ =	shalt  }
0x4e: {  	_ =	shalt  }
0x4f: {  	_ =	shalt  }
0x50: {  	_ =	shalt  }
0x51: {  	_ =	shalt  }
0x52: {  	_ =	shalt  }
0x53: {  	_ =	shalt  }
0x54: {  	_ =	shalt  }
0x55: {  	_ =	shalt  }
0x56: {  	_ =	shalt  }
0x57: {  	_ =	shalt  }
0x58: {  	_ =	shalt  }
0x59: {  	_ =	shalt  }
0x5a: {  	_ =	shalt  }
0x5b: {  	_ =	shalt  }
0x5c: {  	_ =	shalt  }
0x5d: {  	_ =	shalt  }
0x5e: {  	_ =	shalt  }
0x5f: {  	_ =	shalt  }
0x60: {  	_ =	shalt  }
0x61: {  	_ =	shalt  }
0x62: {  	_ =	shalt  }
0x63: {  	_ =	shalt  }
0x64: {  	_ =	shalt  }
0x65: {  	_ =	shalt  }
0x66: {  	_ =	shalt  }
0x67: {  	_ =	shalt  }
0x68: {  	_ =	shalt  }
0x69: {  	_ =	shalt  }
0x6a: {  	_ =	shalt  }
0x6b: {  	_ =	shalt  }
0x6c: {  	_ =	shalt  }
0x6d: {  	_ =	shalt  }
0x6e: {  	_ =	shalt  }
0x6f: {  	_ =	shalt  }
0x70: {  	_ =	shalt  }
0x71: {  	_ =	shalt  }
0x72: {  	_ =	shalt  }
0x73: {  	_ =	shalt  }
0x74: {  	_ =	shalt  }
0x75: {  	_ =	shalt  }
0x76: {  	_ =	shalt  }
0x77: {  	_ =	shalt  }
0x78: {  	_ =	shalt  }
0x79: {  	_ =	shalt  }
0x7a: {  	_ =	shalt  }
0x7b: {  	_ =	shalt  }
0x7c: {  	_ =	shalt  }
0x7d: {  	_ =	shalt  }
0x7e: {  	_ =	shalt  }
0x7f: {  	_ =	shalt  }
0x80: {  	_ =	shalt  }
0x81: {  	_ =	shalt  }
0x82: {  	_ =	shalt  }
0x83: {  	_ =	shalt  }
0x84: {  	_ =	shalt  }
0x85: {  	_ =	shalt  }
0x86: {  	_ =	shalt  }
0x87: {  	_ =	shalt  }
.Lfunc_end0:
.L_simem_size_0:
called_computation_lowered:
.L_overlay_start_0:
0x88: {  	s2 =	sld [smem:$0x3FD9]  }
0x89: {  	s3 =	sld [smem:$0x3FFE];
	_ =	sdelay $0x1  }
0x8a: {  	s1 =	srdreg.scid  }
0x8b: {  	s0 =	sand.u32 $0x1, s1  }
0x8c: {  	s17 =	sshll.u32 s0, $0xA;
	s2 =	sadd.s32 s3, s2  }
0x8d: {  	s2 =	sadd.s32 s2, s17  }
0x8e: {  	[smem:$0x3FB4] =	sst s2  }
0x8f: {  	_ = 	snop  }
0x90: {  	(tm) =	ssettm $0x1  }
0x91: {  	s18 =	sld [smem:$0x3FFB];
	_ =	sdelay $0x3  }
0x92: {  	_ =	strace s18  }
0x93: {  	s2 =	sld [smem:$0x3FFC];
	_ =	sdelay $0x3  }
0x94: {  	_ =	strace s2  }
0x95: {  	s2 =	sld [smem:$0x3FFD];
	_ =	sdelay $0x3  }
0x96: {  	_ =	strace s2  }
0x97: {  	_ =	strace $0x8FFFFFFF  }
0x98: {  	s19 =	sld [smem:$0x3FDB];
	_ =	sdelay $0x1  }
0x99: {  	s20 =	simm.s32 $_scs_section_size  }
0x9a: {  	s4 =	simm.s32 $_size__tile_overlayer_lowered;
	s5 =	simm.s32 $_tile_overlayer_lowered  }
0x9b: {  	s6 =	simm.s32 $0x1BFF;
	s21 =	sshll.u32 s5, $0x1;
	s3 =	sadd.s32 s20, s19  }
0x9c: {  	s22 =	simm.s32 $0x0;
	s4 =	sshll.u32 s4, $0x1;
	s5 =	sadd.s32 s21, s3  }
0x9d: {  	[timem:s22], [sflag:s6] =	dma.local [hbm:s5], s4  }
0x9e: {  	_ =	swait.ge [sflag:s6], s4  }
0x9f: {  	s4 =	ssub.s32 $0x0, s4;
	[sflag:s6] =	ssyncset.done $0x0  }
0xa0: {  	[sflag:s6] =	ssyncadd.s32 s4;
	_ =	sdelay $0x1  }
0xa1: {  	s23 =	simm.s32 $0x1B8B  }
0xa2: {  	_ =	swait.ge [sflag:s23], $0x1  }
0xa3: {  	[sflag:s23] =	ssyncset.done $0x0  }
0xa4: {  	[sflag:s23] =	ssyncadd.s32 $0xFFFFFFFF  }
0xa5: {  	s4 =	sld [smem:$0x0]  }
0xa6: {  	s5 =	sand.u32 $0xFFFFFFFE, s1  }
0xa7: {  	p0 =	sne.s32 s1, s5  }
0xa8: {  	s5 =	sshll.u32 @p0 s5, $0xE  }
0xa9: {  	s5 =	sadd.s32 @p0 $0x11B8D, s5;
	s6 =	sshll.u32 @p0 s4, $0x11  }
0xaa: {  	s5 =	sor.u32 @p0 s6, s5  }
0xab: {  	[sflag:s5] =	ssyncadd.remote.s32 @p0 $0x1;
	_ =	sdelay $0x1  }
0xac: {  	s5 =	simm.s32 @p0 $0x1B8D  }
0xad: {  	_ =	swait.eq @p0 [sflag:s5], $0x1  }
0xae: {  	[sflag:s5] =	ssyncadd.s32 @p0 $0xFFFFFFFF  }
0xaf: {  	s6 =	sshll.u32 @!p0 s1, $0xE  }
0xb0: {  	s6 =	sor.u32 @!p0 $0x4000, s6;
	s5 =	simm.s32 @!p0 $0x1B8D  }
0xb1: {  	s4 =	sshll.u32 @!p0 s4, $0x11;
	s6 =	sadd.s32 @!p0 $0x11B8D, s6;
	_ =	swait.eq @!p0 [sflag:s5], $0x1  }
0xb2: {  	s4 =	sor.u32 @!p0 s4, s6;
	[sflag:s5] =	ssyncadd.s32 @!p0 $0xFFFFFFFF  }
0xb3: {  	s25 =	simm.s32 $0x1B8E;
	s24 =	sld [smem:$0x3FFE];
	[sflag:s4] =	ssyncadd.remote.s32 @!p0 $0x1  }
0xb4: {  	s26 =	simm.s32 $execute0_lowered;
	[smem:$0x3FD2] =	sst s25  }
0xb5: {  	s5 =	sshll.u32 s26, $0x1;
	_ =	strace $0x80000049;
	[dreg:$0x1] =	wrdreg $0xFFFFFFFF  }
0xb6: {  	s28 =	simm.s32 $_size_execute0_lowered;
	s3 =	sadd.s32 s3, s5;
	[dreg:$0x0] =	wrdreg $0x0  }
0xb7: {  	s5 =	sshll.u32 s28, $0x1;
	[dreg:$0x2] =	wrdreg s3  }
0xb8: {  	[dreg:$0x3] =	wrdreg s5  }
0xb9: {  	[dreg:$0x4] =	wrdreg $0xC0  }
0xba: {  	_ =	task [dreg:s22], $0x5FFFF  }
0xbb: {  	[dreg:$0x1] =	wrdreg $0xFFFFFFFF  }
0xbc: {  	[dreg:$0x0] =	wrdreg $0x60  }
0xbd: {  	[dreg:$0x2] =	wrdreg s24  }
0xbe: {  	[dreg:$0x3] =	wrdreg $0x9  }
0xbf: {  	_ =	task.clear_ibuf [dreg:s22], $0x4FFFF;
	_ =	strace $0x90000049  }
0xc0: {  	s29 =	simm.s32 $0x9;
	_ =	strace $0x8000004B  }
0xc1: {  	_ =	swait.ge [sflag:s29], $0x1  }
0xc2: {  	[sflag:s29] =	ssyncadd.s32 $0xFFFFFFFF  }
0xc3: {  	_ =	strace $0x9000004B  }
0xc4: {  	_ =	sfence  }
0xc5: {  	s30 =	sld [smem:$0x0];
	_ =	sdelay $0x2  }
0xc6: {  	s31 =	sshll.u32 s1, $0xD;
	s1 =	sshrl.u32 s1, $0x2  }
0xc7: {  	s4 =	sand.u32 $0x4000, s31;
	s1 =	sadd.s32 s1, s30  }
0xc8: {  	s0 =	sor.u32 s4, s0;
	s1 =	sshll.u32 s1, $0x11  }
0xc9: {  	s0 =	sor.u32 s1, s0  }
0xca: {  	s0 =	sadd.s32 $0x8F2B, s0  }
0xcb: {  	[sflag:s0] =	ssyncadd.remote.s32 $0x1  }
0xcc: {  	_ =	sfence.sel $0xFFFF  }
0xcd: {  	[dreg:$0x0] =	wrdreg $0xFFFFFFFF;
	(pc) =	sbr.abs _section_cstart, $3  }
0xce: {  	[dreg:$0x1] =	wrdreg $0xFFFFFFFF  }
0xcf: {  	_ =	task.clear_ibuf [dreg:s22], $0x2FFFF;
	_ =	strace $0x9FFFFFFF  }
0xd0: {  	(tm) =	ssettm $0x7FFFFFFF  }
0xd1: {  	_ =	shalt  }
tec
execute0_lowered:
.L_overlay_start_1:
0x0: {  	(tag) =	ssettag $0x1  }
0x1: {  	s1 =	srdreg.scid  }
0x2: {  	s0 =	stileid.u32;
	s6 =	rddreg [dreg:$0x0]  }
0x3: {  	s12 =	simm.s32 $0x400;
	s13 =	simm.s32 $0x4;
	s14 =	simm.s32 $0x1900  }
0x4: {  	s15 =	simm.s32 $0x3200;
	s16 =	simm.s32 $0x4B00;
	s17 =	simm.s32 $0xCB00  }
0x5: {  	s18 =	simm.s32 $0x8B00;
	s19 =	simm.s32 $0x10B00;
	s20 =	simm.s32 $0x1  }
0x6: {  	s21 =	simm.s32 $0x2;
	s22 =	simm.s32 $0x3;
	s23 =	simm.s32 $0x0  }
0x7: {  	s5 =	sand.u32 $0x1, s1;
	s28 =	sshrl.u32 s0, $0x2;
	s8 =	smul.u32 $0x32000, s0  }
0x8: {  	s2 =	sshll.u32 s0, $0x8;
	s1 =	rddreg [dreg:$0x1];
	s4 =	smul.u32 $0xC800, s28  }
0x9: {  	s3 =	sshll.u32 s5, $0x7;
	s9 =	ssub.s32 $0x2, s5;
	s11 =	smul.u32 $0x19000, s5  }
0xa: {  	s29 =	sor.u32 s3, s2;
	s2 =	simm.s32 $0x0;
	s10 =	sadd.s32 s8, s6  }
0xb: {  	s30 =	sshrl.u32 s9, $0x1;
	s3 =	sand.u32 $0x380, s29;
	[smem:$0x7FF] =	sst s2  }
0xc: {  	s31 =	ssub.s32 s9, s30;
	s10 =	sadd.s32 s11, s10;
	s3 =	sor.u32 s4, s3  }
0xd: {  	s11 =	simm.s32 $0x80;
	_ =	strace $0x8000004A;
	s3 =	sshrl.u32 s3, $0x3  }
0xe: {  	s4 =	sadd.s32 $0x32C600, s6;
	s9 =	sadd.s32 $0x4B3000, s10;
	s7 =	sadd.s32 s3, s6  }
0xf: {  	s10 =	sadd.s32 $0x7D3000, s10;
	s3 =	sadd.s32 $0x1A5C00, s6;
	s5 =	sadd.s32 $0x193000, s7  }
0x10: {  	s8 =	smax.u32 s31, $0x1;
	s6 =	sadd.s32 $0x199400, s7;
	s7 =	sadd.s32 $0x19F800, s7  }
.LBB2_1:
0x11: {  	[tilespmem:s2], [sflag:$0x4] =	stream.strided.gather [hbm4b:s5+s11], $0x1900, s12, s11, $0x38;
	[tilespmem:$0x14B00] =	vst v63  }
0x12: {  	_ =	swait.ge [sflag:s13], $0x1900  }
0x13: {  	[sflag:s13] =	ssyncset.done $0x0  }
0x14: {  	[sflag:s13] =	ssyncadd.s32 $0xFFFFE700  }
0x15: {  	[tilespmem:s14], [sflag:$0x4] =	stream.strided.gather [hbm4b:s6+s11], $0x1900, s12, s11, $0x38;
	[tilespmem:$0x14B00] =	vst v63  }
0x16: {  	_ =	swait.ge [sflag:s13], $0x1900  }
0x17: {  	[sflag:s13] =	ssyncset.done $0x0  }
0x18: {  	[sflag:s13] =	ssyncadd.s32 $0xFFFFE700  }
0x19: {  	[tilespmem:s15], [sflag:$0x4] =	stream.strided.gather [hbm4b:s7+s11], $0x1900, s12, s11, $0x38;
	[tilespmem:$0x14B00] =	vst v63  }
0x1a: {  	_ =	swait.ge [sflag:s13], $0x1900  }
0x1b: {  	[sflag:s13] =	ssyncset.done $0x0  }
0x1c: {  	s24 =	simm.s32 $0x0;
	s25 =	simm.s32 $0x40;
	[sflag:s13] =	ssyncadd.s32 $0xFFFFE700  }
.LBB2_2:
0x1d: {  	p0 =	sne.s32 s25, $0x63C0;
	v0 =	vld [tilespmem:s24+$0x0];
	_ =	sdelay $0x1  }
0x1e: {  	v1 =	vld [tilespmem:s24+$0x1900];
	_ =	sdelay $0x1  }
.Ltmp0:
0x1f: {  	(pc) =	sbr.rel @p0 .LBB2_2-.Ltmp0, $3  }
0x20: {  	v0 =	vmul.u32 $0x64, v0;
	_ =	sdelay $0x1  }
0x21: {  	v0 =	vadd.s32 v1, v0  }
0x22: {  	[tilespmem:s24+$0x0] =	vst v0;
	s24 =	sshra.s32 s25, $0x2;
	s25 =	sadd.s32 $0x40, s25  }
0x23: {  	v0 =	vld [tilespmem:s24+$0x0];
	_ =	sdelay $0x1  }
0x24: {  	v1 =	vld [tilespmem:s24+$0x1900];
	_ =	sdelay $0x2  }
0x25: {  	v0 =	vmul.u32 $0x64, v0;
	_ =	sdelay $0x1  }
0x26: {  	v0 =	vadd.s32 v1, v0  }
0x27: {  	s26 =	simm.s32 $0x0;
	[tilespmem:s24+$0x0] =	vst v0  }
0x28: {  	[tilespmem:s16], [sflag:$0x1] =	stream.indirect.gather [hbm4b:s3+s11], $0x80, s26, s11, $0xb8;
	[tilespmem:$0x14B00] =	vst v63  }
0x29: {  	s29 =	simm.s32 $0x3200  }
0x2a: {  	[tilespmem:s17], [sflag:$0x1] =	stream.indirect.gather [hbm4b:s4+s11], $0x80, s29, s11, $0xb8;
	[tilespmem:$0x14B00] =	vst v63  }
0x2b: {  	s30 =	simm.s32 $0x80  }
0x2c: {  	[tilespmem:s18], [sflag:$0x2] =	stream.indirect.gather [hbm4b:s3+s11], $0x80, s30, s11, $0xb8;
	[tilespmem:$0x14B00] =	vst v63  }
0x2d: {  	s31 =	simm.s32 $0x3280  }
0x2e: {  	[tilespmem:s19], [sflag:$0x2] =	stream.indirect.gather [hbm4b:s4+s11], $0x80, s31, s11, $0xb8;
	[tilespmem:$0x14B00] =	vst v63  }
0x2f: {  	_ =	swait.ge [sflag:s20], $0x4000  }
0x30: {  	[sflag:s20] =	ssyncset.done $0x0  }
0x31: {  	[sflag:s20] =	ssyncadd.s32 $0xFFFFC000  }
0x32: {  	_ =	swait.ge [sflag:s20], $0x4000  }
0x33: {  	[sflag:s20] =	ssyncset.done $0x0  }
0x34: {  	[sflag:s20] =	ssyncadd.s32 $0xFFFFC000  }
0x35: {  	_ =	swait.ge [sflag:s21], $0x4000  }
0x36: {  	[sflag:s21] =	ssyncset.done $0x0  }
0x37: {  	[sflag:s21] =	ssyncadd.s32 $0xFFFFC000  }
0x38: {  	_ =	swait.ge [sflag:s21], $0x4000  }
0x39: {  	[sflag:s21] =	ssyncset.done $0x0  }
0x3a: {  	[sflag:s21] =	ssyncadd.s32 $0xFFFFC000  }
0x3b: {  	[hbm4b:s9+s2] =	stream.linear.scatter [tilespmem:s16], [sflag:$0x3], $0x8000, $0x38;
	[tilespmem:$0x14B00] =	vst v63  }
0x3c: {  	_ = 	snop  }
0x3d: {  	[hbm4b:s10+s2] =	stream.linear.scatter [tilespmem:s17], [sflag:$0x3], $0x8000, $0x38;
	[tilespmem:$0x14B00] =	vst v63  }
0x3e: {  	_ =	swait.ge [sflag:s22], $0x8000  }
0x3f: {  	[sflag:s22] =	ssyncset.done $0x0  }
0x40: {  	[sflag:s22] =	ssyncadd.s32 $0xFFFF8000  }
0x41: {  	s28 =	simm.s32 $0x800;
	s25 =	sadd.s32 $0x1000, s10;
	_ =	swait.ge [sflag:s22], $0x8000  }
0x42: {  	s24 =	sadd.s32 $0x1000, s9;
	s26 =	simm.s32 $0x400;
	[sflag:s22] =	ssyncset.done $0x0  }
.LBB2_4:
0x43: {  	s29 =	sshra.s32 s26, $0x2  }
0x44: {  	[sflag:s22] =	ssyncadd.s32 $0xFFFF8000;
	s26 =	smov.u32 s28;
	s30 =	sadd.s32 $0x400, s28  }
0x45: {  	[tilespmem:s16], [sflag:$0x1] =	stream.indirect.gather [hbm4b:s3+s11], $0x80, s29, s11, $0xb8;
	[tilespmem:$0x14B00] =	vst v63  }
0x46: {  	p0 =	sne.s32 s28, $0x6000;
	s28 =	sadd.s32 $0x3200, s29  }
0x47: {  	[tilespmem:s17], [sflag:$0x1] =	stream.indirect.gather [hbm4b:s4+s11], $0x80, s28, s11, $0xb8;
	[tilespmem:$0x14B00] =	vst v63  }
0x48: {  	s28 =	sadd.s32 $0x80, s29  }
0x49: {  	[tilespmem:s18], [sflag:$0x2] =	stream.indirect.gather [hbm4b:s3+s11], $0x80, s28, s11, $0xb8;
	[tilespmem:$0x14B00] =	vst v63  }
0x4a: {  	s28 =	sadd.s32 $0x3280, s29  }
0x4b: {  	[tilespmem:s19], [sflag:$0x2] =	stream.indirect.gather [hbm4b:s4+s11], $0x80, s28, s11, $0xb8;
	[tilespmem:$0x14B00] =	vst v63  }
0x4c: {  	_ =	swait.ge [sflag:s20], $0x4000  }
0x4d: {  	[sflag:s20] =	ssyncset.done $0x0  }
0x4e: {  	[sflag:s20] =	ssyncadd.s32 $0xFFFFC000  }
0x4f: {  	_ =	swait.ge [sflag:s20], $0x4000  }
0x50: {  	[sflag:s20] =	ssyncset.done $0x0  }
0x51: {  	[sflag:s20] =	ssyncadd.s32 $0xFFFFC000  }
0x52: {  	_ =	swait.ge [sflag:s21], $0x4000  }
0x53: {  	[sflag:s21] =	ssyncset.done $0x0  }
0x54: {  	[sflag:s21] =	ssyncadd.s32 $0xFFFFC000  }
0x55: {  	_ =	swait.ge [sflag:s21], $0x4000  }
0x56: {  	[sflag:s21] =	ssyncset.done $0x0  }
0x57: {  	[sflag:s21] =	ssyncadd.s32 $0xFFFFC000  }
0x58: {  	[hbm4b:s24+s2] =	stream.linear.scatter [tilespmem:s16], [sflag:$0x3], $0x8000, $0x38;
	[tilespmem:$0x14B00] =	vst v63  }
0x59: {  	_ = 	snop  }
0x5a: {  	[hbm4b:s25+s2] =	stream.linear.scatter [tilespmem:s17], [sflag:$0x3], $0x8000, $0x38;
	[tilespmem:$0x14B00] =	vst v63  }
.Ltmp1:
0x5b: {  	_ =	swait.ge [sflag:s22], $0x8000;
	(pc) =	sbr.rel @p0 .LBB2_4-.Ltmp1, $4  }
0x5c: {  	[sflag:s22] =	ssyncset.done $0x0  }
0x5d: {  	[sflag:s22] =	ssyncadd.s32 $0xFFFF8000  }
0x5e: {  	s28 =	smov.u32 s30;
	_ =	swait.ge [sflag:s22], $0x8000  }
0x5f: {  	s24 =	sadd.s32 $0x1000, s24;
	s25 =	sadd.s32 $0x1000, s25;
	[sflag:s22] =	ssyncset.done $0x0  }
0x60: {  	s26 =	sshra.s32 s26, $0x2;
	[sflag:s22] =	ssyncadd.s32 $0xFFFF8000  }
0x61: {  	[tilespmem:s16], [sflag:$0x1] =	stream.indirect.gather [hbm4b:s3+s11], $0x80, s26, s11, $0xb8;
	[tilespmem:$0x14B00] =	vst v63  }
0x62: {  	s28 =	sadd.s32 $0x3200, s26  }
0x63: {  	[tilespmem:s17], [sflag:$0x1] =	stream.indirect.gather [hbm4b:s4+s11], $0x80, s28, s11, $0xb8;
	[tilespmem:$0x14B00] =	vst v63  }
0x64: {  	s31 =	sadd.s32 $0x80, s26  }
0x65: {  	[tilespmem:s18], [sflag:$0x2] =	stream.indirect.gather [hbm4b:s3+s11], $0x80, s31, s11, $0xb8;
	[tilespmem:$0x14B00] =	vst v63  }
0x66: {  	s26 =	sadd.s32 $0x3280, s26  }
0x67: {  	[tilespmem:s19], [sflag:$0x2] =	stream.indirect.gather [hbm4b:s4+s11], $0x80, s26, s11, $0xb8;
	[tilespmem:$0x14B00] =	vst v63  }
0x68: {  	_ =	swait.ge [sflag:s20], $0x4000  }
0x69: {  	[sflag:s20] =	ssyncset.done $0x0  }
0x6a: {  	[sflag:s20] =	ssyncadd.s32 $0xFFFFC000  }
0x6b: {  	_ =	swait.ge [sflag:s20], $0x4000  }
0x6c: {  	[sflag:s20] =	ssyncset.done $0x0  }
0x6d: {  	[sflag:s20] =	ssyncadd.s32 $0xFFFFC000  }
0x6e: {  	_ =	swait.ge [sflag:s21], $0x4000  }
0x6f: {  	[sflag:s21] =	ssyncset.done $0x0  }
0x70: {  	[sflag:s21] =	ssyncadd.s32 $0xFFFFC000  }
0x71: {  	_ =	swait.ge [sflag:s21], $0x4000  }
0x72: {  	[sflag:s21] =	ssyncset.done $0x0  }
0x73: {  	[sflag:s21] =	ssyncadd.s32 $0xFFFFC000  }
0x74: {  	[hbm4b:s24+s2] =	stream.linear.scatter [tilespmem:s16], [sflag:$0x3], $0x8000, $0x38;
	[tilespmem:$0x14B00] =	vst v63  }
0x75: {  	s23 =	sadd.s32 $0x1, s23  }
0x76: {  	[hbm4b:s25+s2] =	stream.linear.scatter [tilespmem:s17], [sflag:$0x3], $0x8000, $0x38;
	[tilespmem:$0x14B00] =	vst v63  }
0x77: {  	p0 =	sne.s32 s23, s8;
	_ =	swait.ge [sflag:s22], $0x8000  }
.Ltmp2:
0x78: {  	[sflag:s22] =	ssyncset.done $0x0;
	(pc) =	sbr.rel @p0 .LBB2_1-.Ltmp2, $4  }
0x79: {  	[sflag:s22] =	ssyncadd.s32 $0xFFFF8000  }
0x7a: {  	_ =	swait.ge [sflag:s22], $0x8000  }
0x7b: {  	[sflag:s22] =	ssyncset.done $0x0  }
0x7c: {  	[sflag:s22] =	ssyncadd.s32 $0xFFFF8000  }
0x7d: {  	_ =	sfence.sel $0x180000  }
0x7e: {  	[bflag:$0x0] =	sbarrier.arrive $0xFFFF  }
0x7f: {  	p0 =	sne.s32 s0, $0x0;
	_ =	strace $0x9000004A  }
0x80: {  	s0 =	sadd.s32 @!p0 $0x100000, s1;
	[bflag:$0x2] =	sbarrier.arrive $0xFFFF  }
0x81: {  	[sflag:s0] =	ssyncadd.tile.s32 @!p0 $0x1;
	_ =	shalt  }
.Lfunc_end2:
_tile_overlayer_lowered:
.L_overlay_start_2:
0x82: {  	(tag) =	ssettag $0x2  }
0x83: {  	s0 =	rddreg [dreg:$0x0];
	s2 =	stileid.u32  }
0x84: {  	s1 =	rddreg [dreg:$0x1];
	p0 =	sne.s32 s2, $0x0  }
0x85: {  	s3 =	rddreg [dreg:$0x2];
	[bflag:$0x3] =	sbarrier.arrive $0xFFFF;
	s2 =	simm.s32 @!p0 $0x1C04  }
0x86: {  	[timem:s3], [sflag:s2] =	dma.local @!p0 [hbm:s0], s1  }
0x87: {  	s0 =	simm.s32 @!p0 $0x4  }
0x88: {  	_ =	swait.ge @!p0 [sflag:s0], s1  }
0x89: {  	s1 =	ssub.s32 @!p0 $0x0, s1;
	[sflag:s0] =	ssyncset.done @!p0 $0x0  }
0x8a: {  	[sflag:s0] =	ssyncadd.s32 @!p0 s1  }
0x8b: {  	[bflag:$0x3] =	sbarrier.arrive $0xFFFF  }
0x8c: {  	_ =	shalt  }

// kernel: kernel.9.cloned.1.call-start
scs
__scs_entry_jumppad:
0x0: {  	(pc) =	sbr.rel $0x88, $3  }
0x1: {  	(tag) =	ssettag $0x0;
	lr =	simm.s32 $0x1  }
0x2: {  	[smem:$0x3F8D] =	sst lr;
	_ =	strace $0xD0000000  }
0x3: {  	_ = 	snop  }
0x4: {  	_ = 	snop  }
0x5: {  	_ = 	snop  }
0x6: {  	_ = 	snop  }
0x7: {  	_ = 	snop  }
__scs_overlays_trampoline_lowered:
0x8: {  	[smem:$0x3F9C] =	sst s0  }
0x9: {  	[smem:$0x3F9D] =	sst s1  }
0xa: {  	[smem:$0x3F9E] =	sst s2  }
0xb: {  	[smem:$0x3F9F] =	sst s3  }
0xc: {  	[smem:$0x3FA0] =	sst s4  }
0xd: {  	[smem:$0x3FA1] =	sst s5  }
0xe: {  	[smem:$0x3FA2] =	sst s6  }
0xf: {  	[smem:$0x3FA3] =	sst s7  }
0x10: {  	[smem:$0x3FA4] =	sst s8  }
0x11: {  	[smem:$0x3FA5] =	sst s9;
	s0 =	simm.s32 @!p0 $0x0  }
0x12: {  	s1 =	sld [smem:$0x3F8B];
	s0 =	simm.s32 @p0 $0x1  }
0x13: {  	[smem:$0x3FA6] =	sst s0;
	s0 =	simm.s32 @!p1 $0x0  }
0x14: {  	s2 =	sld [smem:$0x3F8A];
	s0 =	simm.s32 @p1 $0x1  }
0x15: {  	[smem:$0x3FA7] =	sst s0;
	s0 =	simm.s32 @!p2 $0x0  }
0x16: {  	s3 =	sld [smem:$0x3FDB];
	s0 =	simm.s32 @p2 $0x1  }
0x17: {  	s4 =	simm.s32 $0x1BF5;
	[smem:$0x3FA9] =	sst s0  }
0x18: {  	s0 =	sld [smem:$0x3F8C];
	_ =	swait.ge [sflag:s4], $0x0  }
0x19: {  	s7 =	sld [smem:$0x3F8D]  }
0x1a: {  	s8 =	sadd.s32 $0xFFFFE003, lr  }
0x1b: {  	s9 =	sadd.s32 $0xFFFFFEF7, lr;
	s5 =	simm.s32 $0xFFFFFFFF;
	p2 =	slt.u32 s8, $0xFFFFF086  }
0x1c: {  	p1 =	slt.u32 s9, $0xF7A;
	s5 =	simm.s32 @!p2 $0x0  }
0x1d: {  	s5 =	simm.s32 @p1 $0x1;
	p0 =	seq.s32 s7, s2  }
0x1e: {  	s7 =	smul.u32 @!p0 $0xF7A, s2;
	p2 =	seq.s32 @!p0 s5, $0x0  }
0x1f: {  	s9 =	smul.u32 $0xF7A, s1;
	s8 =	simm.s32 @!p0 $0x1BF5;
	p2 =	por !p2, p0  }
0x20: {  	[sflag:s8] =	ssyncset.s32 @!p0 $0xFFFFF086;
	s6 =	sadd.s32 @!p0 s3, s7;
	s7 =	simm.s32 @!p0 $0x108  }
0x21: {  	s3 =	sadd.s32 s3, s9;
	s6 =	sadd.s32 @!p0 $0x88, s6;
	s7 =	simm.s32 @p2 $0x1082  }
0x22: {  	[simem:s7], [sflag:s8] =	dma.local @!p0 [hbm:s6], $0xF7A  }
0x23: {  	s9 =	sor.u32 $0xD0000000, s2;
	s6 =	simm.s32 $0x108;
	_ =	swait.ge @!p0 [sflag:s8], $0x0  }
0x24: {  	s3 =	sadd.s32 $0x88, s3;
	s6 =	simm.s32 @!p1 $0x1082;
	[sflag:s4] =	ssyncset.s32 $0xFFFFF086  }
0x25: {  	[simem:s6], [sflag:s4] =	dma.local [hbm:s3], $0xF7A  }
0x26: {  	[smem:$0x3F8D] =	sst s1;
	(tag) =	ssettag s2;
	_ =	strace s9  }
0x27: {  	s1 =	sld [smem:$0x3F9D]  }
0x28: {  	s2 =	sld [smem:$0x3F9E]  }
0x29: {  	s4 =	sld [smem:$0x3FA0]  }
0x2a: {  	p0 =	seq.s32 s5, $0x0;
	s5 =	sld [smem:$0x3FA1]  }
0x2b: {  	s6 =	sld [smem:$0x3FA2]  }
0x2c: {  	s7 =	sld [smem:$0x3FA3]  }
0x2d: {  	s3 =	simm.s32 $0x108;
	s8 =	sld [smem:$0x3FA4]  }
0x2e: {  	s3 =	simm.s32 @!p0 $0x1082;
	s9 =	sld [smem:$0x3FA5]  }
0x2f: {  	lr =	sadd.s32 s0, s3;
	s0 =	sld [smem:$0x3F9C]  }
0x30: {  	s3 =	sld [smem:$0x3F9F]  }
0x31: {  	[smem:$0x3FA8] =	sst s10  }
0x32: {  	s10 =	sld [smem:$0x3FA6];
	_ =	sdelay $0x3  }
0x33: {  	p0 =	seq.s32 s10, $0x1;
	s10 =	sld [smem:$0x3FA8];
	_ =	sdelay $0x3  }
0x34: {  	[smem:$0x3FA8] =	sst s10  }
0x35: {  	s10 =	sld [smem:$0x3FA7];
	_ =	sdelay $0x3  }
0x36: {  	p1 =	seq.s32 s10, $0x1;
	s10 =	sld [smem:$0x3FA8];
	_ =	sdelay $0x3  }
0x37: {  	[smem:$0x3FA8] =	sst s10  }
0x38: {  	s10 =	sld [smem:$0x3FA9]  }
0x39: {  	_ = 	snop;
	(pc) =	sbr.ind lr, $3  }
0x3a: {  	_ = 	snop  }
0x3b: {  	_ = 	snop  }
0x3c: {  	p2 =	seq.s32 s10, $0x1;
	s10 =	sld [smem:$0x3FA8]  }
0x3d: {  	_ =	shalt  }
0x3e: {  	_ =	shalt  }
0x3f: {  	_ =	shalt  }
0x40: {  	_ =	shalt  }
0x41: {  	_ =	shalt  }
0x42: {  	_ =	shalt  }
0x43: {  	_ =	shalt  }
0x44: {  	_ =	shalt  }
0x45: {  	_ =	shalt  }
0x46: {  	_ =	shalt  }
0x47: {  	_ =	shalt  }
0x48: {  	_ =	shalt  }
0x49: {  	_ =	shalt  }
0x4a: {  	_ =	shalt  }
0x4b: {  	_ =	shalt  }
0x4c: {  	_ =	shalt  }
0x4d: {  	_ =	shalt  }
0x4e: {  	_ =	shalt  }
0x4f: {  	_ =	shalt  }
0x50: {  	_ =	shalt  }
0x51: {  	_ =	shalt  }
0x52: {  	_ =	shalt  }
0x53: {  	_ =	shalt  }
0x54: {  	_ =	shalt  }
0x55: {  	_ =	shalt  }
0x56: {  	_ =	shalt  }
0x57: {  	_ =	shalt  }
0x58: {  	_ =	shalt  }
0x59: {  	_ =	shalt  }
0x5a: {  	_ =	shalt  }
0x5b: {  	_ =	shalt  }
0x5c: {  	_ =	shalt  }
0x5d: {  	_ =	shalt  }
0x5e: {  	_ =	shalt  }
0x5f: {  	_ =	shalt  }
0x60: {  	_ =	shalt  }
0x61: {  	_ =	shalt  }
0x62: {  	_ =	shalt  }
0x63: {  	_ =	shalt  }
0x64: {  	_ =	shalt  }
0x65: {  	_ =	shalt  }
0x66: {  	_ =	shalt  }
0x67: {  	_ =	shalt  }
0x68: {  	_ =	shalt  }
0x69: {  	_ =	shalt  }
0x6a: {  	_ =	shalt  }
0x6b: {  	_ =	shalt  }
0x6c: {  	_ =	shalt  }
0x6d: {  	_ =	shalt  }
0x6e: {  	_ =	shalt  }
0x6f: {  	_ =	shalt  }
0x70: {  	_ =	shalt  }
0x71: {  	_ =	shalt  }
0x72: {  	_ =	shalt  }
0x73: {  	_ =	shalt  }
0x74: {  	_ =	shalt  }
0x75: {  	_ =	shalt  }
0x76: {  	_ =	shalt  }
0x77: {  	_ =	shalt  }
0x78: {  	_ =	shalt  }
0x79: {  	_ =	shalt  }
0x7a: {  	_ =	shalt  }
0x7b: {  	_ =	shalt  }
0x7c: {  	_ =	shalt  }
0x7d: {  	_ =	shalt  }
0x7e: {  	_ =	shalt  }
0x7f: {  	_ =	shalt  }
0x80: {  	_ =	shalt  }
0x81: {  	_ =	shalt  }
0x82: {  	_ =	shalt  }
0x83: {  	_ =	shalt  }
0x84: {  	_ =	shalt  }
0x85: {  	_ =	shalt  }
0x86: {  	_ =	shalt  }
0x87: {  	_ =	shalt  }
.Lfunc_end0:
.L_simem_size_0:
called_computation.1_lowered:
.L_overlay_start_0:
0x88: {  	s2 =	sld [smem:$0x3FD9]  }
0x89: {  	s3 =	sld [smem:$0x3FFE];
	_ =	sdelay $0x1  }
0x8a: {  	s1 =	srdreg.scid  }
0x8b: {  	s0 =	sand.u32 $0x1, s1  }
0x8c: {  	s17 =	sshll.u32 s0, $0xA;
	s2 =	sadd.s32 s3, s2  }
0x8d: {  	s2 =	sadd.s32 s2, s17  }
0x8e: {  	[smem:$0x3FB4] =	sst s2  }
0x8f: {  	_ = 	snop  }
0x90: {  	s2 =	sld [smem:$0x3FD0];
	(tm) =	ssettm $0x1  }
0x91: {  	s18 =	sld [smem:$0x3FFB];
	_ =	sdelay $0x3  }
0x92: {  	_ =	strace s18  }
0x93: {  	s3 =	sld [smem:$0x3FFC];
	_ =	sdelay $0x3  }
0x94: {  	_ =	strace s3  }
0x95: {  	s3 =	sld [smem:$0x3FFD];
	_ =	sdelay $0x3  }
0x96: {  	_ =	strace s3  }
0x97: {  	_ =	strace $0x8FFFFFFF  }
0x98: {  	s19 =	sld [smem:$0x3FDB];
	_ =	sdelay $0x1  }
0x99: {  	s4 =	simm.s32 $_scs_section_size  }
0x9a: {  	s5 =	simm.s32 $_size__tile_overlayer_lowered;
	s6 =	simm.s32 $_tile_overlayer_lowered  }
0x9b: {  	s22 =	simm.s32 $0x1BFF;
	s21 =	sshll.u32 s6, $0x1;
	s3 =	sadd.s32 s4, s19  }
0x9c: {  	s7 =	simm.s32 $0x0;
	s20 =	sshll.u32 s5, $0x1;
	s5 =	sadd.s32 s21, s3  }
0x9d: {  	[timem:s7], [sflag:s22] =	dma.local [hbm:s5], s20  }
0x9e: {  	_ =	swait.ge [sflag:s22], s20  }
0x9f: {  	s4 =	ssub.s32 $0x0, s20;
	[sflag:s22] =	ssyncset.done $0x0  }
0xa0: {  	[sflag:s22] =	ssyncadd.s32 s4;
	_ =	sdelay $0x1  }
0xa1: {  	s23 =	simm.s32 $0x1B8B  }
0xa2: {  	_ =	swait.ge [sflag:s23], $0x1  }
0xa3: {  	[sflag:s23] =	ssyncset.done $0x0  }
0xa4: {  	s25 =	simm.s32 $0x1B8E;
	s24 =	sld [smem:$0x3FFE];
	[sflag:s23] =	ssyncadd.s32 $0xFFFFFFFF  }
0xa5: {  	s26 =	simm.s32 $execute0_lowered;
	[smem:$0x3FD2] =	sst s25  }
0xa6: {  	s5 =	sshll.u32 s26, $0x1;
	_ =	strace $0x80000046;
	[dreg:$0x1] =	wrdreg $0xFFFFFFFF  }
0xa7: {  	s28 =	simm.s32 $_size_execute0_lowered;
	s3 =	sadd.s32 s3, s5;
	[dreg:$0x0] =	wrdreg $0x0  }
0xa8: {  	s5 =	sshll.u32 s28, $0x1;
	[dreg:$0x2] =	wrdreg s3  }
0xa9: {  	[dreg:$0x3] =	wrdreg s5  }
0xaa: {  	[dreg:$0x4] =	wrdreg $0xC0  }
0xab: {  	_ =	task [dreg:s7], $0x5FFFF  }
0xac: {  	[dreg:$0x1] =	wrdreg $0xFFFFFFFF  }
0xad: {  	[dreg:$0x0] =	wrdreg $0x60  }
0xae: {  	[dreg:$0x2] =	wrdreg s2  }
0xaf: {  	[dreg:$0x3] =	wrdreg s24  }
0xb0: {  	[dreg:$0x4] =	wrdreg $0xA  }
0xb1: {  	_ =	task.clear_ibuf [dreg:s7], $0x5FFFF;
	_ =	strace $0x90000046  }
0xb2: {  	s29 =	simm.s32 $0xA;
	_ =	strace $0x80000048  }
0xb3: {  	_ =	swait.ge [sflag:s29], $0x1  }
0xb4: {  	[sflag:s29] =	ssyncadd.s32 $0xFFFFFFFF  }
0xb5: {  	_ =	strace $0x90000048  }
0xb6: {  	_ =	sfence  }
0xb7: {  	s30 =	sld [smem:$0x0];
	_ =	sdelay $0x2  }
0xb8: {  	s31 =	sshll.u32 s1, $0xD;
	s1 =	sshrl.u32 s1, $0x2  }
0xb9: {  	s3 =	sand.u32 $0x4000, s31;
	s1 =	sadd.s32 s1, s30  }
0xba: {  	s0 =	sor.u32 s3, s0;
	s1 =	sshll.u32 s1, $0x11  }
0xbb: {  	s0 =	sor.u32 s1, s0  }
0xbc: {  	s0 =	sadd.s32 $0x8F2B, s0  }
0xbd: {  	[sflag:s0] =	ssyncadd.remote.s32 $0x1  }
0xbe: {  	_ =	sfence.sel $0xFFFF  }
0xbf: {  	[dreg:$0x0] =	wrdreg $0xFFFFFFFF;
	(pc) =	sbr.abs _section_cstart, $3  }
0xc0: {  	[dreg:$0x1] =	wrdreg $0xFFFFFFFF  }
0xc1: {  	_ =	task.clear_ibuf [dreg:s7], $0x2FFFF;
	_ =	strace $0x9FFFFFFF  }
0xc2: {  	(tm) =	ssettm $0x7FFFFFFF  }
0xc3: {  	_ =	shalt  }
tec
execute0_lowered:
.L_overlay_start_1:
0x0: {  	(tag) =	ssettag $0x1  }
0x1: {  	s4 =	rddreg [dreg:$0x0]  }
0x2: {  	s5 =	rddreg [dreg:$0x1]  }
0x3: {  	s0 =	rddreg [dreg:$0x2]  }
0x4: {  	s1 =	simm.s32 $0x0;
	s6 =	srdreg.scid;
	s2 =	stileid.u32  }
0x5: {  	s12 =	simm.s32 $0x1;
	s13 =	simm.s32 $0x2;
	s14 =	simm.s32 $0x3  }
0x6: {  	s15 =	simm.s32 $0x4;
	s16 =	simm.s32 $0x0;
	[smem:$0x7FF] =	sst s1  }
0x7: {  	s3 =	sadd.s32 $0xF45400, s5;
	s6 =	sand.u32 $0x1, s6;
	s8 =	smul.u32 $0x3200, s2  }
0x8: {  	s7 =	sshll.u32 s2, $0x1;
	s5 =	sadd.s32 $0x3000, s5;
	s28 =	smul.u32 $0x19000, s2  }
0x9: {  	s9 =	ssub.s32 $0x2, s6;
	s7 =	sor.u32 s6, s7;
	s10 =	smul.u32 $0x1900, s6  }
0xa: {  	_ =	strace $0x80000047;
	s11 =	sshrl.u32 s9, $0x1;
	s7 =	smul.u32 $0x1900, s7  }
0xb: {  	s29 =	smul.u32 $0xC800, s6;
	s31 =	sadd.s32 s28, s5;
	s9 =	ssub.s32 s9, s11  }
0xc: {  	s8 =	sadd.s32 s10, s8;
	s10 =	simm.s32 $0x1900;
	s7 =	sshrl.u32 s7, $0x3  }
0xd: {  	s11 =	simm.s32 $0x3900;
	s8 =	sshll.u32 s8, $0x3;
	s4 =	sadd.s32 s4, s7  }
0xe: {  	s30 =	sadd.s32 s8, s5;
	s5 =	smax.u32 s9, $0x1;
	s7 =	sadd.s32 s29, s31  }
0xf: {  	s8 =	simm.s32 $0x5;
	s9 =	simm.s32 $0x80;
	s6 =	sadd.s32 $0x400, s30  }
.LBB2_1:
0x10: {  	[tilespmem:s1], [sflag:$0x5] =	stream.linear.gather [hbm4b:s4+s1], $0x1900, $0x38;
	[tilespmem:$0x5900] =	vst v63  }
0x11: {  	_ =	swait.ge [sflag:s8], $0x1900  }
0x12: {  	[sflag:s8] =	ssyncset.done $0x0  }
0x13: {  	s17 =	simm.s32 $0x0;
	[sflag:s8] =	ssyncadd.s32 $0xFFFFE700  }
0x14: {  	[tilespmem:s10], [sflag:$0x1] =	stream.indirect.gather [hbm4b:s3+s9], $0x40, s17, s9, $0xb8;
	[tilespmem:$0x5900] =	vst v63  }
0x15: {  	_ = 	snop  }
0x16: {  	[tilespmem:s11], [sflag:$0x2] =	stream.indirect.gather [hbm4b:s3+s9], $0x40, s9, s9, $0xb8;
	[tilespmem:$0x5900] =	vst v63  }
0x17: {  	_ =	swait.ge [sflag:s12], $0x2000  }
0x18: {  	[sflag:s12] =	ssyncset.done $0x0  }
0x19: {  	s30 =	sadd.s32 $0x0, s7;
	[sflag:s12] =	ssyncadd.s32 $0xFFFFE000  }
0x1a: {  	[hbm4b:s30+s1] =	stream.linear.scatter [tilespmem:s10], [sflag:$0x3], $0x2000, $0x38;
	[tilespmem:$0x5900] =	vst v63  }
0x1b: {  	_ =	swait.ge [sflag:s13], $0x2000  }
0x1c: {  	[sflag:s13] =	ssyncset.done $0x0  }
0x1d: {  	s31 =	sadd.s32 $0x0, s6;
	[sflag:s13] =	ssyncadd.s32 $0xFFFFE000  }
0x1e: {  	[hbm4b:s31+s1] =	stream.linear.scatter [tilespmem:s11], [sflag:$0x4], $0x2000, $0x38;
	[tilespmem:$0x5900] =	vst v63  }
0x1f: {  	_ =	swait.ge [sflag:s14], $0x2000  }
0x20: {  	[sflag:s14] =	ssyncset.done $0x0  }
0x21: {  	[sflag:s14] =	ssyncadd.s32 $0xFFFFE000  }
0x22: {  	s19 =	simm.s32 $0x1000;
	_ =	swait.ge [sflag:s15], $0x2000  }
0x23: {  	s18 =	simm.s32 $0x180;
	s17 =	simm.s32 $0x800;
	[sflag:s15] =	ssyncset.done $0x0  }
.LBB2_2:
0x24: {  	p0 =	sne.s32 s19, $0xC000;
	s20 =	sadd.s32 $0xFFFFFF80, s18;
	[sflag:s15] =	ssyncadd.s32 $0xFFFFE000  }
0x25: {  	[tilespmem:s10], [sflag:$0x1] =	stream.indirect.gather [hbm4b:s3+s9], $0x40, s20, s9, $0xb8;
	[tilespmem:$0x5900] =	vst v63  }
0x26: {  	s20 =	smov.u32 s19;
	s19 =	sadd.s32 $0x800, s19  }
0x27: {  	[tilespmem:s11], [sflag:$0x2] =	stream.indirect.gather [hbm4b:s3+s9], $0x40, s18, s9, $0xb8;
	[tilespmem:$0x5900] =	vst v63  }
0x28: {  	_ =	swait.ge [sflag:s12], $0x2000  }
0x29: {  	[sflag:s12] =	ssyncset.done $0x0  }
0x2a: {  	s21 =	sadd.s32 s17, s7;
	[sflag:s12] =	ssyncadd.s32 $0xFFFFE000  }
0x2b: {  	[hbm4b:s21+s1] =	stream.linear.scatter [tilespmem:s10], [sflag:$0x3], $0x2000, $0x38;
	[tilespmem:$0x5900] =	vst v63  }
0x2c: {  	_ =	swait.ge [sflag:s13], $0x2000  }
0x2d: {  	[sflag:s13] =	ssyncset.done $0x0  }
0x2e: {  	s21 =	sadd.s32 s17, s6;
	s17 =	smov.u32 s20;
	[sflag:s13] =	ssyncadd.s32 $0xFFFFE000  }
0x2f: {  	[hbm4b:s21+s1] =	stream.linear.scatter [tilespmem:s11], [sflag:$0x4], $0x2000, $0x38;
	[tilespmem:$0x5900] =	vst v63  }
.Ltmp0:
0x30: {  	_ =	swait.ge [sflag:s14], $0x2000;
	(pc) =	sbr.rel @p0 .LBB2_2-.Ltmp0, $4  }
0x31: {  	[sflag:s14] =	ssyncset.done $0x0  }
0x32: {  	[sflag:s14] =	ssyncadd.s32 $0xFFFFE000  }
0x33: {  	_ =	swait.ge [sflag:s15], $0x2000  }
0x34: {  	s18 =	sadd.s32 $0x100, s18;
	[sflag:s15] =	ssyncset.done $0x0  }
0x35: {  	s19 =	sadd.s32 $0xFFFFFF80, s18;
	[sflag:s15] =	ssyncadd.s32 $0xFFFFE000  }
0x36: {  	[tilespmem:s10], [sflag:$0x1] =	stream.indirect.gather [hbm4b:s3+s9], $0x40, s19, s9, $0xb8;
	[tilespmem:$0x5900] =	vst v63  }
0x37: {  	_ = 	snop  }
0x38: {  	[tilespmem:s11], [sflag:$0x2] =	stream.indirect.gather [hbm4b:s3+s9], $0x40, s18, s9, $0xb8;
	[tilespmem:$0x5900] =	vst v63  }
0x39: {  	_ =	swait.ge [sflag:s12], $0x2000  }
0x3a: {  	[sflag:s12] =	ssyncset.done $0x0  }
0x3b: {  	s30 =	sadd.s32 s17, s7;
	[sflag:s12] =	ssyncadd.s32 $0xFFFFE000  }
0x3c: {  	[hbm4b:s30+s1] =	stream.linear.scatter [tilespmem:s10], [sflag:$0x3], $0x2000, $0x38;
	[tilespmem:$0x5900] =	vst v63  }
0x3d: {  	_ =	swait.ge [sflag:s13], $0x2000  }
0x3e: {  	[sflag:s13] =	ssyncset.done $0x0  }
0x3f: {  	s31 =	sadd.s32 s17, s6;
	s16 =	sadd.s32 $0x1, s16;
	[sflag:s13] =	ssyncadd.s32 $0xFFFFE000  }
0x40: {  	[hbm4b:s31+s1] =	stream.linear.scatter [tilespmem:s11], [sflag:$0x4], $0x2000, $0x38;
	[tilespmem:$0x5900] =	vst v63  }
0x41: {  	p0 =	sne.s32 s16, s5;
	_ =	swait.ge [sflag:s14], $0x2000  }
.Ltmp1:
0x42: {  	[sflag:s14] =	ssyncset.done $0x0;
	(pc) =	sbr.rel @p0 .LBB2_1-.Ltmp1, $4  }
0x43: {  	[sflag:s14] =	ssyncadd.s32 $0xFFFFE000  }
0x44: {  	_ =	swait.ge [sflag:s15], $0x2000  }
0x45: {  	[sflag:s15] =	ssyncset.done $0x0  }
0x46: {  	[sflag:s15] =	ssyncadd.s32 $0xFFFFE000  }
0x47: {  	_ =	sfence.sel $0x180000  }
0x48: {  	[bflag:$0x0] =	sbarrier.arrive $0xFFFF  }
0x49: {  	p0 =	sne.s32 s2, $0x0;
	_ =	strace $0x90000047  }
0x4a: {  	s0 =	sadd.s32 @!p0 $0x100000, s0;
	[bflag:$0x2] =	sbarrier.arrive $0xFFFF  }
0x4b: {  	[sflag:s0] =	ssyncadd.tile.s32 @!p0 $0x1;
	_ =	shalt  }
.Lfunc_end2:
_tile_overlayer_lowered:
.L_overlay_start_2:
0x4c: {  	(tag) =	ssettag $0x2  }
0x4d: {  	s0 =	rddreg [dreg:$0x0];
	s2 =	stileid.u32  }
0x4e: {  	s1 =	rddreg [dreg:$0x1];
	p0 =	sne.s32 s2, $0x0  }
0x4f: {  	s3 =	rddreg [dreg:$0x2];
	[bflag:$0x3] =	sbarrier.arrive $0xFFFF;
	s2 =	simm.s32 @!p0 $0x1C05  }
0x50: {  	[timem:s3], [sflag:s2] =	dma.local @!p0 [hbm:s0], s1  }
0x51: {  	s0 =	simm.s32 @!p0 $0x5  }
0x52: {  	_ =	swait.ge @!p0 [sflag:s0], s1  }
0x53: {  	s1 =	ssub.s32 @!p0 $0x0, s1;
	[sflag:s0] =	ssyncset.done @!p0 $0x0  }
0x54: {  	[sflag:s0] =	ssyncadd.s32 @!p0 s1  }
0x55: {  	[bflag:$0x3] =	sbarrier.arrive $0xFFFF  }
0x56: {  	_ =	shalt  }

</sc_bundles>
